<compile_context>
chip_gen: v7x
topology: tpu7x:2x2x1
jax: 0.10.2.dev20260603
libtpu: 0.0.44.dev20260713+nightly
codegen_flags: <defaults>
</compile_context>

<pallas_src>
import functools

import jax
import jax.numpy as jnp
from jax import lax
from jax.experimental import pallas as pl
from jax.experimental.pallas import tpu as pltpu
from jax.experimental.pallas import tpu_sc as plsc

_H, _P = 12, 4
_K = _H * _P
_TOK_BLK1 = 4096
_TOK_BLK3 = 2048


def _make_stage1_body(blocks_per_batch, C):
    def body(x_ref, w12_ref, b12_ref, g_ref, pk_ref, x0_ref):
        i = pl.program_id(0)
        xb = x_ref[...]
        dn = (((1,), (0,)), ((), ()))
        g12 = lax.dot_general(xb, w12_ref[...], dn,
                              precision=lax.Precision.DEFAULT,
                              preferred_element_type=jnp.float32)
        g12 = g12 + b12_ref[0:1, :]
        off = g12[:, :_K]
        a = g12[:, _K:]
        e = jnp.exp(a)
        s = lax.dot_general(e, g_ref[...], dn,
                            precision=lax.Precision.DEFAULT,
                            preferred_element_type=jnp.float32)
        attn = e / s
        t = off.astype(jnp.int32).astype(jnp.float32)
        m = t - jnp.float32(C) * jnp.floor(t / jnp.float32(C))
        bofs = (i // blocks_per_batch) * C
        m = m + bofs.astype(jnp.float32)
        idx = m.astype(jnp.int32)
        abits = lax.bitcast_convert_type(
            attn.astype(jnp.bfloat16), jnp.uint16).astype(jnp.int32)
        packed = (idx << 16) | abits
        pk_ref[...] = lax.bitcast_convert_type(
            lax.bitcast_convert_type(packed, jnp.float32).T, jnp.int32)

        @pl.when(i % blocks_per_batch == 0)
        def _():
            x0_ref[pl.ds(i // blocks_per_batch, 1), :] = xb[0:1, :]

    return body


def _stage3_body(pre_ref, w_ref, bout_ref, out_ref, wsum_ref):
    i = pl.program_id(0)

    @pl.when(i == 0)
    def _():
        wsum_ref[...] = jnp.broadcast_to(
            jnp.sum(w_ref[...], axis=1)[None, :], wsum_ref.shape)

    p = pre_ref[0, 0, :]
    out_ref[...] = p[:, None] * wsum_ref[0:1, :] + bout_ref[0:1, :]


def _make_sc_gather(BN, B, C):
    NC, NS, L = 2, 16, 16
    NW = NC * NS
    TW = BN // NW
    NV = TW // L
    mesh = plsc.VectorSubcoreMesh(core_axis_name="c", subcore_axis_name="s")

    @functools.partial(
        pl.kernel,
        out_type=jax.ShapeDtypeStruct((BN,), jnp.float32),
        mesh=mesh,
        compiler_params=pltpu.CompilerParams(needs_layout_passes=False),
        scratch_types=[
            pltpu.VMEM((_K, TW), jnp.int32),
            pltpu.VMEM((B * C,), jnp.float32),
            pltpu.VMEM((TW,), jnp.float32),
        ],
    )
    def sc_gather(pk_hbm, x0_hbm, pre_hbm, pk_v, x0_v, out_v):
        wid = lax.axis_index("s") * NC + lax.axis_index("c")
        base = wid * TW
        pltpu.sync_copy(pk_hbm.at[:, pl.ds(base, TW)], pk_v)
        pltpu.sync_copy(x0_hbm, x0_v)

        def body(v, carry):
            o = v * L
            acc = jnp.zeros((L,), jnp.float32)
            for k in range(_K):
                w = pk_v[k, pl.ds(o, L)]
                iv = w >> 16
                av = plsc.bitcast(w << 16, jnp.float32)
                g = plsc.load_gather(x0_v, [iv])
                acc = acc + av * g
            out_v[pl.ds(o, L)] = acc
            return carry

        lax.fori_loop(0, NV, body, 0)
        pltpu.sync_copy(out_v, pre_hbm.at[pl.ds(base, TW)])

    return sc_gather


def kernel(x, W_off, b_off, W_attn, b_attn, W_out, b_out):
    B, N, C = x.shape
    BN = B * N
    nblk1 = BN // _TOK_BLK1
    nblk3 = BN // _TOK_BLK3
    x2d = x.reshape(BN, C)

    W12 = jnp.concatenate([W_off[0::2, :], W_attn], axis=0).T
    b12 = jnp.broadcast_to(
        jnp.concatenate([b_off[0::2], b_attn])[None, :], (8, 2 * _K))
    G = jnp.kron(jnp.eye(_H, dtype=jnp.float32),
                 jnp.ones((_P, _P), jnp.float32))

    packed, x0 = pl.pallas_call(
        _make_stage1_body(N // _TOK_BLK1, C),
        grid=(nblk1,),
        in_specs=[
            pl.BlockSpec((_TOK_BLK1, C), lambda i: (i, 0)),
            pl.BlockSpec((C, 2 * _K), lambda i: (0, 0)),
            pl.BlockSpec((8, 2 * _K), lambda i: (0, 0)),
            pl.BlockSpec((_K, _K), lambda i: (0, 0)),
        ],
        out_specs=[
            pl.BlockSpec((_K, _TOK_BLK1), lambda i: (0, i)),
            pl.BlockSpec((B, C), lambda i: (0, 0)),
        ],
        out_shape=[
            jax.ShapeDtypeStruct((_K, BN), jnp.int32),
            jax.ShapeDtypeStruct((B, C), jnp.float32),
        ],
    )(x2d, W12, b12, G)

    pre = _make_sc_gather(BN, B, C)(packed, x0.reshape(B * C))

    bout8 = jnp.broadcast_to(b_out[None, :], (8, C))
    out2d = pl.pallas_call(
        _stage3_body,
        grid=(nblk3,),
        in_specs=[
            pl.BlockSpec((1, 1, _TOK_BLK3), lambda i: (i, 0, 0)),
            pl.BlockSpec((C, C), lambda i: (0, 0)),
            pl.BlockSpec((8, C), lambda i: (0, 0)),
        ],
        out_specs=pl.BlockSpec((_TOK_BLK3, C), lambda i: (i, 0)),
        out_shape=jax.ShapeDtypeStruct((BN, C), jnp.float32),
        scratch_shapes=[pltpu.VMEM((8, C), jnp.float32)],
    )(pre.reshape(nblk3, 1, _TOK_BLK3), W_out, bout8)

    return out2d.reshape(B, N, C)

# --- scband reference (transcript-rebuilt; emitter-appended) ---
"""Pipeline reference for scband-deformable-self-attention-71923522339271 (READ-ONLY COPY).

The authoritative reference and input builder live on the scoring server;
editing this copy changes nothing except your own understanding.
"""

import jax, jax.numpy as jnp
import numpy as np

B, N, C = 4, 8192, 768
H, P = 12, 4


def setup_inputs(seed: int = 0) -> dict:
    key = jax.random.key(seed)
    ks = jax.random.split(key, 7)
    s = 1.0 / np.sqrt(C)
    x = jax.random.normal(ks[0], (B, N, C), dtype=jnp.float32)
    W_off = jax.random.uniform(ks[1], (H * P * 2, C), jnp.float32, -s, s)
    b_off = jax.random.uniform(ks[2], (H * P * 2,), jnp.float32, -s, s)
    W_attn = jax.random.uniform(ks[3], (H * P, C), jnp.float32, -s, s)
    b_attn = jax.random.uniform(ks[4], (H * P,), jnp.float32, -s, s)
    W_out = jax.random.uniform(ks[5], (C, C), jnp.float32, -s, s)
    b_out = jax.random.uniform(ks[6], (C,), jnp.float32, -s, s)
    return {"x": x, "W_off": W_off, "b_off": b_off, "W_attn": W_attn,
            "b_attn": b_attn, "W_out": W_out, "b_out": b_out}


def reference(x, W_off, b_off, W_attn, b_attn, W_out, b_out):
    Bx, Nx, Cx = x.shape
    # offset_fc -> (B, N, H, P, 2)
    offset = (x @ W_off.T + b_off).reshape(Bx, Nx, H, P, 2)
    # attention_fc -> softmax over last dim (points)
    attn = jax.nn.softmax((x @ W_attn.T + b_attn).reshape(Bx, Nx, H, P), axis=-1)
    # bilinear_sample (faithful to the torch code): x_idx = locs[...,0].long(),
    # sampled scalar = x[b, 0, x_idx] broadcast across channel dim.
    # torch .long() truncates toward zero (matched by astype int32 here);
    # torch negative indexing wraps once -> modeled with mod C.
    x_idx = offset[..., 0].astype(jnp.int32)  # (B, N, H, P)
    x_idx = jnp.mod(x_idx, Cx)
    x0 = x[:, 0, :]  # (B, C): every sample reads from token 0's feature row
    sampled = x0[jnp.arange(Bx)[:, None, None, None], x_idx]  # (B, N, H, P) gather
    # sum over heads and points of weight * sampled scalar; scalar broadcasts over C
    pre = jnp.sum(sampled * attn, axis=(2, 3))  # (B, N)
    out = jnp.broadcast_to(pre[..., None], (Bx, Nx, Cx))
    # output_fc
    return out @ W_out.T + b_out

if __name__ == "__main__":
    import jax
    _d = setup_inputs()
    print(jax.jit(kernel)(*tuple(_d.values())))

</pallas_src>

<mosaic_0001>
#map = affine_map<(d0, d1) -> (0, 0)>
#map1 = affine_map<(d0, d1) -> (0)>
module attributes {stable_mosaic.version = 14 : i64} {
  func.func @sc_gather(%arg0: i32, %arg1: i32, %arg2: memref<48x32768xi32, #tpu.memory_space<hbm>>, %arg3: memref<3072xf32, #tpu.memory_space<hbm>>, %arg4: memref<32768xf32, #tpu.memory_space<hbm>>, %arg5: memref<48x1024xi32, #tpu.memory_space<vmem>>, %arg6: memref<3072xf32, #tpu.memory_space<vmem>>, %arg7: memref<1024xf32, #tpu.memory_space<vmem>>) attributes {dimension_semantics = [#tpu.dimension_semantics<core_parallel>, #tpu.dimension_semantics<subcore_parallel>], iteration_bounds = array<i64: 2, 16>, scalar_prefetch = 0 : i64, scratch_operands = 3 : i64, tpu.core_type = #tpu.core_type<sc_vector_subcore>, window_params = [{transform_indices = #map}, {transform_indices = #map1}, {transform_indices = #map1}]} {
    %mul3A = arith.constant 2 : i32
    %mul3A_0 = arith.muli %arg1, %mul3A : i32
    %add3A = arith.addi %mul3A_0, %arg0 : i32
    %mul3A_1 = arith.constant 1024 : i32
    %mul3A_2 = arith.muli %add3A, %mul3A_1 : i32
    "tpu.region"() ({
      %run_scoped3A = tpu.sem_alloc : memref<!tpu.dma_semaphore, #tpu.memory_space<semaphore_mem>>
      %dma_start3A = arith.constant 0 : i32
      %dma_start3A_8 = tpu.memref_slice %arg2[%dma_start3A, %mul3A_2] : memref<48x32768xi32, #tpu.memory_space<hbm>> -> memref<48x1024xi32, #tpu.memory_space<hbm>>
      %dma_start3A_9 = arith.constant 0 : i32
      %dma_start3A_10 = tpu.memref_slice %arg2[%dma_start3A_9, %mul3A_2] : memref<48x32768xi32, #tpu.memory_space<hbm>> -> memref<48x1024xi32, #tpu.memory_space<hbm>>
      tpu.enqueue_dma source(%dma_start3A_10 : memref<48x1024xi32, #tpu.memory_space<hbm>>) target(%arg5 : memref<48x1024xi32, #tpu.memory_space<vmem>>) target_semaphore(%run_scoped3A : memref<!tpu.dma_semaphore, #tpu.memory_space<semaphore_mem>>)
      %dma_wait3A = arith.constant 0 : i32
      %dma_wait3A_11 = tpu.memref_slice %arg2[%dma_wait3A, %mul3A_2] : memref<48x32768xi32, #tpu.memory_space<hbm>> -> memref<48x1024xi32, #tpu.memory_space<hbm>>
      %dma_wait3A_12 = arith.constant 0 : i32
      %dma_wait3A_13 = tpu.memref_slice %arg2[%dma_wait3A_12, %mul3A_2] : memref<48x32768xi32, #tpu.memory_space<hbm>> -> memref<48x1024xi32, #tpu.memory_space<hbm>>
      tpu.wait_dma2 semaphore(%run_scoped3A : memref<!tpu.dma_semaphore, #tpu.memory_space<semaphore_mem>>) src(%dma_wait3A_13 : memref<48x1024xi32, #tpu.memory_space<hbm>>) dst(%arg5 : memref<48x1024xi32, #tpu.memory_space<vmem>>)
      tpu.yield
    }) : () -> ()
    "tpu.region"() ({
      %run_scoped3A = tpu.sem_alloc : memref<!tpu.dma_semaphore, #tpu.memory_space<semaphore_mem>>
      tpu.enqueue_dma source(%arg3 : memref<3072xf32, #tpu.memory_space<hbm>>) target(%arg6 : memref<3072xf32, #tpu.memory_space<vmem>>) target_semaphore(%run_scoped3A : memref<!tpu.dma_semaphore, #tpu.memory_space<semaphore_mem>>)
      tpu.wait_dma2 semaphore(%run_scoped3A : memref<!tpu.dma_semaphore, #tpu.memory_space<semaphore_mem>>) src(%arg3 : memref<3072xf32, #tpu.memory_space<hbm>>) dst(%arg6 : memref<3072xf32, #tpu.memory_space<vmem>>)
      tpu.yield
    }) : () -> ()
    %scan3A = arith.constant 0 : i32
    %scan3A_3 = arith.constant 0 : i32
    %scan3A_4 = arith.constant 64 : i32
    %scan3A_5 = arith.addi %scan3A_3, %scan3A_4 : i32
    %scan3A_6 = arith.constant 1 : i32
    scf.for %scan3A_8 = %scan3A_3 to %scan3A_5 step %scan3A_6  : i32 {
      %mul3A_9 = arith.constant 16 : i32
      %mul3A_10 = arith.muli %scan3A_8, %mul3A_9 : i32
      %broadcast_in_dim3A = arith.constant 0.000000e+00 : f32
      %broadcast_in_dim3A_11 = vector.broadcast %broadcast_in_dim3A : f32 to vector<16xf32>
      %get3A = arith.constant 0 : i32
      %get3A_12 = arith.index_cast %get3A : i32 to index
      %get3A_13 = arith.index_cast %mul3A_10 : i32 to index
      %get3A_14 = tpu.vector_load %arg5[%get3A_12, %get3A_13] {strides = array<i32>} : memref<48x1024xi32, #tpu.memory_space<vmem>>, vector<16xi32>,
      %shift_right_arithmetic3A = arith.constant 16 : i32
      %shift_right_arithmetic3A_15 = vector.broadcast %shift_right_arithmetic3A : i32 to vector<16xi32>
      %shift_right_arithmetic3A_16 = arith.shrsi %get3A_14, %shift_right_arithmetic3A_15 : vector<16xi32>
      %shift_left3A = arith.constant 16 : i32
      %shift_left3A_17 = vector.broadcast %shift_left3A : i32 to vector<16xi32>
      %shift_left3A_18 = arith.shli %get3A_14, %shift_left3A_17 : vector<16xi32>
      %bitcast3A = vector.bitcast %shift_left3A_18 : vector<16xi32> to vector<16xf32>
      %gather3A = tpu.vector_load_idx %arg6[%shift_right_arithmetic3A_16] : memref<3072xf32, #tpu.memory_space<vmem>>[vector<16xi32>], vector<16xf32>,
      %mul3A_19 = arith.mulf %bitcast3A, %gather3A : vector<16xf32>
      %add3A_20 = arith.addf %broadcast_in_dim3A_11, %mul3A_19 : vector<16xf32>
      %get3A_21 = arith.constant 1 : i32
      %get3A_22 = arith.index_cast %get3A_21 : i32 to index
      %get3A_23 = arith.index_cast %mul3A_10 : i32 to index
      %get3A_24 = tpu.vector_load %arg5[%get3A_22, %get3A_23] {strides = array<i32>} : memref<48x1024xi32, #tpu.memory_space<vmem>>, vector<16xi32>,
      %shift_right_arithmetic3A_25 = arith.constant 16 : i32
      %shift_right_arithmetic3A_26 = vector.broadcast %shift_right_arithmetic3A_25 : i32 to vector<16xi32>
      %shift_right_arithmetic3A_27 = arith.shrsi %get3A_24, %shift_right_arithmetic3A_26 : vector<16xi32>
      %shift_left3A_28 = arith.constant 16 : i32
      %shift_left3A_29 = vector.broadcast %shift_left3A_28 : i32 to vector<16xi32>
      %shift_left3A_30 = arith.shli %get3A_24, %shift_left3A_29 : vector<16xi32>
      %bitcast3A_31 = vector.bitcast %shift_left3A_30 : vector<16xi32> to vector<16xf32>
      %gather3A_32 = tpu.vector_load_idx %arg6[%shift_right_arithmetic3A_27] : memref<3072xf32, #tpu.memory_space<vmem>>[vector<16xi32>], vector<16xf32>,
      %mul3A_33 = arith.mulf %bitcast3A_31, %gather3A_32 : vector<16xf32>
      %add3A_34 = arith.addf %add3A_20, %mul3A_33 : vector<16xf32>
      %get3A_35 = arith.constant 2 : i32
      %get3A_36 = arith.index_cast %get3A_35 : i32 to index
      %get3A_37 = arith.index_cast %mul3A_10 : i32 to index
      %get3A_38 = tpu.vector_load %arg5[%get3A_36, %get3A_37] {strides = array<i32>} : memref<48x1024xi32, #tpu.memory_space<vmem>>, vector<16xi32>,
      %shift_right_arithmetic3A_39 = arith.constant 16 : i32
      %shift_right_arithmetic3A_40 = vector.broadcast %shift_right_arithmetic3A_39 : i32 to vector<16xi32>
      %shift_right_arithmetic3A_41 = arith.shrsi %get3A_38, %shift_right_arithmetic3A_40 : vector<16xi32>
      %shift_left3A_42 = arith.constant 16 : i32
      %shift_left3A_43 = vector.broadcast %shift_left3A_42 : i32 to vector<16xi32>
      %shift_left3A_44 = arith.shli %get3A_38, %shift_left3A_43 : vector<16xi32>
      %bitcast3A_45 = vector.bitcast %shift_left3A_44 : vector<16xi32> to vector<16xf32>
      %gather3A_46 = tpu.vector_load_idx %arg6[%shift_right_arithmetic3A_41] : memref<3072xf32, #tpu.memory_space<vmem>>[vector<16xi32>], vector<16xf32>,
      %mul3A_47 = arith.mulf %bitcast3A_45, %gather3A_46 : vector<16xf32>
      %add3A_48 = arith.addf %add3A_34, %mul3A_47 : vector<16xf32>
      %get3A_49 = arith.constant 3 : i32
      %get3A_50 = arith.index_cast %get3A_49 : i32 to index
      %get3A_51 = arith.index_cast %mul3A_10 : i32 to index
      %get3A_52 = tpu.vector_load %arg5[%get3A_50, %get3A_51] {strides = array<i32>} : memref<48x1024xi32, #tpu.memory_space<vmem>>, vector<16xi32>,
      %shift_right_arithmetic3A_53 = arith.constant 16 : i32
      %shift_right_arithmetic3A_54 = vector.broadcast %shift_right_arithmetic3A_53 : i32 to vector<16xi32>
      %shift_right_arithmetic3A_55 = arith.shrsi %get3A_52, %shift_right_arithmetic3A_54 : vector<16xi32>
      %shift_left3A_56 = arith.constant 16 : i32
      %shift_left3A_57 = vector.broadcast %shift_left3A_56 : i32 to vector<16xi32>
      %shift_left3A_58 = arith.shli %get3A_52, %shift_left3A_57 : vector<16xi32>
      %bitcast3A_59 = vector.bitcast %shift_left3A_58 : vector<16xi32> to vector<16xf32>
      %gather3A_60 = tpu.vector_load_idx %arg6[%shift_right_arithmetic3A_55] : memref<3072xf32, #tpu.memory_space<vmem>>[vector<16xi32>], vector<16xf32>,
      %mul3A_61 = arith.mulf %bitcast3A_59, %gather3A_60 : vector<16xf32>
      %add3A_62 = arith.addf %add3A_48, %mul3A_61 : vector<16xf32>
      %get3A_63 = arith.constant 4 : i32
      %get3A_64 = arith.index_cast %get3A_63 : i32 to index
      %get3A_65 = arith.index_cast %mul3A_10 : i32 to index
      %get3A_66 = tpu.vector_load %arg5[%get3A_64, %get3A_65] {strides = array<i32>} : memref<48x1024xi32, #tpu.memory_space<vmem>>, vector<16xi32>,
      %shift_right_arithmetic3A_67 = arith.constant 16 : i32
      %shift_right_arithmetic3A_68 = vector.broadcast %shift_right_arithmetic3A_67 : i32 to vector<16xi32>
      %shift_right_arithmetic3A_69 = arith.shrsi %get3A_66, %shift_right_arithmetic3A_68 : vector<16xi32>
      %shift_left3A_70 = arith.constant 16 : i32
      %shift_left3A_71 = vector.broadcast %shift_left3A_70 : i32 to vector<16xi32>
      %shift_left3A_72 = arith.shli %get3A_66, %shift_left3A_71 : vector<16xi32>
      %bitcast3A_73 = vector.bitcast %shift_left3A_72 : vector<16xi32> to vector<16xf32>
      %gather3A_74 = tpu.vector_load_idx %arg6[%shift_right_arithmetic3A_69] : memref<3072xf32, #tpu.memory_space<vmem>>[vector<16xi32>], vector<16xf32>,
      %mul3A_75 = arith.mulf %bitcast3A_73, %gather3A_74 : vector<16xf32>
      %add3A_76 = arith.addf %add3A_62, %mul3A_75 : vector<16xf32>
      %get3A_77 = arith.constant 5 : i32
      %get3A_78 = arith.index_cast %get3A_77 : i32 to index
      %get3A_79 = arith.index_cast %mul3A_10 : i32 to index
      %get3A_80 = tpu.vector_load %arg5[%get3A_78, %get3A_79] {strides = array<i32>} : memref<48x1024xi32, #tpu.memory_space<vmem>>, vector<16xi32>,
      %shift_right_arithmetic3A_81 = arith.constant 16 : i32
      %shift_right_arithmetic3A_82 = vector.broadcast %shift_right_arithmetic3A_81 : i32 to vector<16xi32>
      %shift_right_arithmetic3A_83 = arith.shrsi %get3A_80, %shift_right_arithmetic3A_82 : vector<16xi32>
      %shift_left3A_84 = arith.constant 16 : i32
      %shift_left3A_85 = vector.broadcast %shift_left3A_84 : i32 to vector<16xi32>
      %shift_left3A_86 = arith.shli %get3A_80, %shift_left3A_85 : vector<16xi32>
      %bitcast3A_87 = vector.bitcast %shift_left3A_86 : vector<16xi32> to vector<16xf32>
      %gather3A_88 = tpu.vector_load_idx %arg6[%shift_right_arithmetic3A_83] : memref<3072xf32, #tpu.memory_space<vmem>>[vector<16xi32>], vector<16xf32>,
      %mul3A_89 = arith.mulf %bitcast3A_87, %gather3A_88 : vector<16xf32>
      %add3A_90 = arith.addf %add3A_76, %mul3A_89 : vector<16xf32>
      %get3A_91 = arith.constant 6 : i32
      %get3A_92 = arith.index_cast %get3A_91 : i32 to index
      %get3A_93 = arith.index_cast %mul3A_10 : i32 to index
      %get3A_94 = tpu.vector_load %arg5[%get3A_92, %get3A_93] {strides = array<i32>} : memref<48x1024xi32, #tpu.memory_space<vmem>>, vector<16xi32>,
      %shift_right_arithmetic3A_95 = arith.constant 16 : i32
      %shift_right_arithmetic3A_96 = vector.broadcast %shift_right_arithmetic3A_95 : i32 to vector<16xi32>
      %shift_right_arithmetic3A_97 = arith.shrsi %get3A_94, %shift_right_arithmetic3A_96 : vector<16xi32>
      %shift_left3A_98 = arith.constant 16 : i32
      %shift_left3A_99 = vector.broadcast %shift_left3A_98 : i32 to vector<16xi32>
      %shift_left3A_100 = arith.shli %get3A_94, %shift_left3A_99 : vector<16xi32>
      %bitcast3A_101 = vector.bitcast %shift_left3A_100 : vector<16xi32> to vector<16xf32>
      %gather3A_102 = tpu.vector_load_idx %arg6[%shift_right_arithmetic3A_97] : memref<3072xf32, #tpu.memory_space<vmem>>[vector<16xi32>], vector<16xf32>,
      %mul3A_103 = arith.mulf %bitcast3A_101, %gather3A_102 : vector<16xf32>
      %add3A_104 = arith.addf %add3A_90, %mul3A_103 : vector<16xf32>
      %get3A_105 = arith.constant 7 : i32
      %get3A_106 = arith.index_cast %get3A_105 : i32 to index
      %get3A_107 = arith.index_cast %mul3A_10 : i32 to index
      %get3A_108 = tpu.vector_load %arg5[%get3A_106, %get3A_107] {strides = array<i32>} : memref<48x1024xi32, #tpu.memory_space<vmem>>, vector<16xi32>,
      %shift_right_arithmetic3A_109 = arith.constant 16 : i32
      %shift_right_arithmetic3A_110 = vector.broadcast %shift_right_arithmetic3A_109 : i32 to vector<16xi32>
      %shift_right_arithmetic3A_111 = arith.shrsi %get3A_108, %shift_right_arithmetic3A_110 : vector<16xi32>
      %shift_left3A_112 = arith.constant 16 : i32
      %shift_left3A_113 = vector.broadcast %shift_left3A_112 : i32 to vector<16xi32>
      %shift_left3A_114 = arith.shli %get3A_108, %shift_left3A_113 : vector<16xi32>
      %bitcast3A_115 = vector.bitcast %shift_left3A_114 : vector<16xi32> to vector<16xf32>
      %gather3A_116 = tpu.vector_load_idx %arg6[%shift_right_arithmetic3A_111] : memref<3072xf32, #tpu.memory_space<vmem>>[vector<16xi32>], vector<16xf32>,
      %mul3A_117 = arith.mulf %bitcast3A_115, %gather3A_116 : vector<16xf32>
      %add3A_118 = arith.addf %add3A_104, %mul3A_117 : vector<16xf32>
      %get3A_119 = arith.constant 8 : i32
      %get3A_120 = arith.index_cast %get3A_119 : i32 to index
      %get3A_121 = arith.index_cast %mul3A_10 : i32 to index
      %get3A_122 = tpu.vector_load %arg5[%get3A_120, %get3A_121] {strides = array<i32>} : memref<48x1024xi32, #tpu.memory_space<vmem>>, vector<16xi32>,
      %shift_right_arithmetic3A_123 = arith.constant 16 : i32
      %shift_right_arithmetic3A_124 = vector.broadcast %shift_right_arithmetic3A_123 : i32 to vector<16xi32>
      %shift_right_arithmetic3A_125 = arith.shrsi %get3A_122, %shift_right_arithmetic3A_124 : vector<16xi32>
      %shift_left3A_126 = arith.constant 16 : i32
      %shift_left3A_127 = vector.broadcast %shift_left3A_126 : i32 to vector<16xi32>
      %shift_left3A_128 = arith.shli %get3A_122, %shift_left3A_127 : vector<16xi32>
      %bitcast3A_129 = vector.bitcast %shift_left3A_128 : vector<16xi32> to vector<16xf32>
      %gather3A_130 = tpu.vector_load_idx %arg6[%shift_right_arithmetic3A_125] : memref<3072xf32, #tpu.memory_space<vmem>>[vector<16xi32>], vector<16xf32>,
      %mul3A_131 = arith.mulf %bitcast3A_129, %gather3A_130 : vector<16xf32>
      %add3A_132 = arith.addf %add3A_118, %mul3A_131 : vector<16xf32>
      %get3A_133 = arith.constant 9 : i32
      %get3A_134 = arith.index_cast %get3A_133 : i32 to index
      %get3A_135 = arith.index_cast %mul3A_10 : i32 to index
      %get3A_136 = tpu.vector_load %arg5[%get3A_134, %get3A_135] {strides = array<i32>} : memref<48x1024xi32, #tpu.memory_space<vmem>>, vector<16xi32>,
      %shift_right_arithmetic3A_137 = arith.constant 16 : i32
      %shift_right_arithmetic3A_138 = vector.broadcast %shift_right_arithmetic3A_137 : i32 to vector<16xi32>
      %shift_right_arithmetic3A_139 = arith.shrsi %get3A_136, %shift_right_arithmetic3A_138 : vector<16xi32>
      %shift_left3A_140 = arith.constant 16 : i32
      %shift_left3A_141 = vector.broadcast %shift_left3A_140 : i32 to vector<16xi32>
      %shift_left3A_142 = arith.shli %get3A_136, %shift_left3A_141 : vector<16xi32>
      %bitcast3A_143 = vector.bitcast %shift_left3A_142 : vector<16xi32> to vector<16xf32>
      %gather3A_144 = tpu.vector_load_idx %arg6[%shift_right_arithmetic3A_139] : memref<3072xf32, #tpu.memory_space<vmem>>[vector<16xi32>], vector<16xf32>,
      %mul3A_145 = arith.mulf %bitcast3A_143, %gather3A_144 : vector<16xf32>
      %add3A_146 = arith.addf %add3A_132, %mul3A_145 : vector<16xf32>
      %get3A_147 = arith.constant 10 : i32
      %get3A_148 = arith.index_cast %get3A_147 : i32 to index
      %get3A_149 = arith.index_cast %mul3A_10 : i32 to index
      %get3A_150 = tpu.vector_load %arg5[%get3A_148, %get3A_149] {strides = array<i32>} : memref<48x1024xi32, #tpu.memory_space<vmem>>, vector<16xi32>,
      %shift_right_arithmetic3A_151 = arith.constant 16 : i32
      %shift_right_arithmetic3A_152 = vector.broadcast %shift_right_arithmetic3A_151 : i32 to vector<16xi32>
      %shift_right_arithmetic3A_153 = arith.shrsi %get3A_150, %shift_right_arithmetic3A_152 : vector<16xi32>
      %shift_left3A_154 = arith.constant 16 : i32
      %shift_left3A_155 = vector.broadcast %shift_left3A_154 : i32 to vector<16xi32>
      %shift_left3A_156 = arith.shli %get3A_150, %shift_left3A_155 : vector<16xi32>
      %bitcast3A_157 = vector.bitcast %shift_left3A_156 : vector<16xi32> to vector<16xf32>
      %gather3A_158 = tpu.vector_load_idx %arg6[%shift_right_arithmetic3A_153] : memref<3072xf32, #tpu.memory_space<vmem>>[vector<16xi32>], vector<16xf32>,
      %mul3A_159 = arith.mulf %bitcast3A_157, %gather3A_158 : vector<16xf32>
      %add3A_160 = arith.addf %add3A_146, %mul3A_159 : vector<16xf32>
      %get3A_161 = arith.constant 11 : i32
      %get3A_162 = arith.index_cast %get3A_161 : i32 to index
      %get3A_163 = arith.index_cast %mul3A_10 : i32 to index
      %get3A_164 = tpu.vector_load %arg5[%get3A_162, %get3A_163] {strides = array<i32>} : memref<48x1024xi32, #tpu.memory_space<vmem>>, vector<16xi32>,
      %shift_right_arithmetic3A_165 = arith.constant 16 : i32
      %shift_right_arithmetic3A_166 = vector.broadcast %shift_right_arithmetic3A_165 : i32 to vector<16xi32>
      %shift_right_arithmetic3A_167 = arith.shrsi %get3A_164, %shift_right_arithmetic3A_166 : vector<16xi32>
      %shift_left3A_168 = arith.constant 16 : i32
      %shift_left3A_169 = vector.broadcast %shift_left3A_168 : i32 to vector<16xi32>
      %shift_left3A_170 = arith.shli %get3A_164, %shift_left3A_169 : vector<16xi32>
      %bitcast3A_171 = vector.bitcast %shift_left3A_170 : vector<16xi32> to vector<16xf32>
      %gather3A_172 = tpu.vector_load_idx %arg6[%shift_right_arithmetic3A_167] : memref<3072xf32, #tpu.memory_space<vmem>>[vector<16xi32>], vector<16xf32>,
      %mul3A_173 = arith.mulf %bitcast3A_171, %gather3A_172 : vector<16xf32>
      %add3A_174 = arith.addf %add3A_160, %mul3A_173 : vector<16xf32>
      %get3A_175 = arith.constant 12 : i32
      %get3A_176 = arith.index_cast %get3A_175 : i32 to index
      %get3A_177 = arith.index_cast %mul3A_10 : i32 to index
      %get3A_178 = tpu.vector_load %arg5[%get3A_176, %get3A_177] {strides = array<i32>} : memref<48x1024xi32, #tpu.memory_space<vmem>>, vector<16xi32>,
      %shift_right_arithmetic3A_179 = arith.constant 16 : i32
      %shift_right_arithmetic3A_180 = vector.broadcast %shift_right_arithmetic3A_179 : i32 to vector<16xi32>
      %shift_right_arithmetic3A_181 = arith.shrsi %get3A_178, %shift_right_arithmetic3A_180 : vector<16xi32>
      %shift_left3A_182 = arith.constant 16 : i32
      %shift_left3A_183 = vector.broadcast %shift_left3A_182 : i32 to vector<16xi32>
      %shift_left3A_184 = arith.shli %get3A_178, %shift_left3A_183 : vector<16xi32>
      %bitcast3A_185 = vector.bitcast %shift_left3A_184 : vector<16xi32> to vector<16xf32>
      %gather3A_186 = tpu.vector_load_idx %arg6[%shift_right_arithmetic3A_181] : memref<3072xf32, #tpu.memory_space<vmem>>[vector<16xi32>], vector<16xf32>,
      %mul3A_187 = arith.mulf %bitcast3A_185, %gather3A_186 : vector<16xf32>
      %add3A_188 = arith.addf %add3A_174, %mul3A_187 : vector<16xf32>
      %get3A_189 = arith.constant 13 : i32
      %get3A_190 = arith.index_cast %get3A_189 : i32 to index
      %get3A_191 = arith.index_cast %mul3A_10 : i32 to index
      %get3A_192 = tpu.vector_load %arg5[%get3A_190, %get3A_191] {strides = array<i32>} : memref<48x1024xi32, #tpu.memory_space<vmem>>, vector<16xi32>,
      %shift_right_arithmetic3A_193 = arith.constant 16 : i32
      %shift_right_arithmetic3A_194 = vector.broadcast %shift_right_arithmetic3A_193 : i32 to vector<16xi32>
      %shift_right_arithmetic3A_195 = arith.shrsi %get3A_192, %shift_right_arithmetic3A_194 : vector<16xi32>
      %shift_left3A_196 = arith.constant 16 : i32
      %shift_left3A_197 = vector.broadcast %shift_left3A_196 : i32 to vector<16xi32>
      %shift_left3A_198 = arith.shli %get3A_192, %shift_left3A_197 : vector<16xi32>
      %bitcast3A_199 = vector.bitcast %shift_left3A_198 : vector<16xi32> to vector<16xf32>
      %gather3A_200 = tpu.vector_load_idx %arg6[%shift_right_arithmetic3A_195] : memref<3072xf32, #tpu.memory_space<vmem>>[vector<16xi32>], vector<16xf32>,
      %mul3A_201 = arith.mulf %bitcast3A_199, %gather3A_200 : vector<16xf32>
      %add3A_202 = arith.addf %add3A_188, %mul3A_201 : vector<16xf32>
      %get3A_203 = arith.constant 14 : i32
      %get3A_204 = arith.index_cast %get3A_203 : i32 to index
      %get3A_205 = arith.index_cast %mul3A_10 : i32 to index
      %get3A_206 = tpu.vector_load %arg5[%get3A_204, %get3A_205] {strides = array<i32>} : memref<48x1024xi32, #tpu.memory_space<vmem>>, vector<16xi32>,
      %shift_right_arithmetic3A_207 = arith.constant 16 : i32
      %shift_right_arithmetic3A_208 = vector.broadcast %shift_right_arithmetic3A_207 : i32 to vector<16xi32>
      %shift_right_arithmetic3A_209 = arith.shrsi %get3A_206, %shift_right_arithmetic3A_208 : vector<16xi32>
      %shift_left3A_210 = arith.constant 16 : i32
      %shift_left3A_211 = vector.broadcast %shift_left3A_210 : i32 to vector<16xi32>
      %shift_left3A_212 = arith.shli %get3A_206, %shift_left3A_211 : vector<16xi32>
      %bitcast3A_213 = vector.bitcast %shift_left3A_212 : vector<16xi32> to vector<16xf32>
      %gather3A_214 = tpu.vector_load_idx %arg6[%shift_right_arithmetic3A_209] : memref<3072xf32, #tpu.memory_space<vmem>>[vector<16xi32>], vector<16xf32>,
      %mul3A_215 = arith.mulf %bitcast3A_213, %gather3A_214 : vector<16xf32>
      %add3A_216 = arith.addf %add3A_202, %mul3A_215 : vector<16xf32>
      %get3A_217 = arith.constant 15 : i32
      %get3A_218 = arith.index_cast %get3A_217 : i32 to index
      %get3A_219 = arith.index_cast %mul3A_10 : i32 to index
      %get3A_220 = tpu.vector_load %arg5[%get3A_218, %get3A_219] {strides = array<i32>} : memref<48x1024xi32, #tpu.memory_space<vmem>>, vector<16xi32>,
      %shift_right_arithmetic3A_221 = arith.constant 16 : i32
      %shift_right_arithmetic3A_222 = vector.broadcast %shift_right_arithmetic3A_221 : i32 to vector<16xi32>
      %shift_right_arithmetic3A_223 = arith.shrsi %get3A_220, %shift_right_arithmetic3A_222 : vector<16xi32>
      %shift_left3A_224 = arith.constant 16 : i32
      %shift_left3A_225 = vector.broadcast %shift_left3A_224 : i32 to vector<16xi32>
      %shift_left3A_226 = arith.shli %get3A_220, %shift_left3A_225 : vector<16xi32>
      %bitcast3A_227 = vector.bitcast %shift_left3A_226 : vector<16xi32> to vector<16xf32>
      %gather3A_228 = tpu.vector_load_idx %arg6[%shift_right_arithmetic3A_223] : memref<3072xf32, #tpu.memory_space<vmem>>[vector<16xi32>], vector<16xf32>,
      %mul3A_229 = arith.mulf %bitcast3A_227, %gather3A_228 : vector<16xf32>
      %add3A_230 = arith.addf %add3A_216, %mul3A_229 : vector<16xf32>
      %get3A_231 = arith.constant 16 : i32
      %get3A_232 = arith.index_cast %get3A_231 : i32 to index
      %get3A_233 = arith.index_cast %mul3A_10 : i32 to index
      %get3A_234 = tpu.vector_load %arg5[%get3A_232, %get3A_233] {strides = array<i32>} : memref<48x1024xi32, #tpu.memory_space<vmem>>, vector<16xi32>,
      %shift_right_arithmetic3A_235 = arith.constant 16 : i32
      %shift_right_arithmetic3A_236 = vector.broadcast %shift_right_arithmetic3A_235 : i32 to vector<16xi32>
      %shift_right_arithmetic3A_237 = arith.shrsi %get3A_234, %shift_right_arithmetic3A_236 : vector<16xi32>
      %shift_left3A_238 = arith.constant 16 : i32
      %shift_left3A_239 = vector.broadcast %shift_left3A_238 : i32 to vector<16xi32>
      %shift_left3A_240 = arith.shli %get3A_234, %shift_left3A_239 : vector<16xi32>
      %bitcast3A_241 = vector.bitcast %shift_left3A_240 : vector<16xi32> to vector<16xf32>
      %gather3A_242 = tpu.vector_load_idx %arg6[%shift_right_arithmetic3A_237] : memref<3072xf32, #tpu.memory_space<vmem>>[vector<16xi32>], vector<16xf32>,
      %mul3A_243 = arith.mulf %bitcast3A_241, %gather3A_242 : vector<16xf32>
      %add3A_244 = arith.addf %add3A_230, %mul3A_243 : vector<16xf32>
      %get3A_245 = arith.constant 17 : i32
      %get3A_246 = arith.index_cast %get3A_245 : i32 to index
      %get3A_247 = arith.index_cast %mul3A_10 : i32 to index
      %get3A_248 = tpu.vector_load %arg5[%get3A_246, %get3A_247] {strides = array<i32>} : memref<48x1024xi32, #tpu.memory_space<vmem>>, vector<16xi32>,
      %shift_right_arithmetic3A_249 = arith.constant 16 : i32
      %shift_right_arithmetic3A_250 = vector.broadcast %shift_right_arithmetic3A_249 : i32 to vector<16xi32>
      %shift_right_arithmetic3A_251 = arith.shrsi %get3A_248, %shift_right_arithmetic3A_250 : vector<16xi32>
      %shift_left3A_252 = arith.constant 16 : i32
      %shift_left3A_253 = vector.broadcast %shift_left3A_252 : i32 to vector<16xi32>
      %shift_left3A_254 = arith.shli %get3A_248, %shift_left3A_253 : vector<16xi32>
      %bitcast3A_255 = vector.bitcast %shift_left3A_254 : vector<16xi32> to vector<16xf32>
      %gather3A_256 = tpu.vector_load_idx %arg6[%shift_right_arithmetic3A_251] : memref<3072xf32, #tpu.memory_space<vmem>>[vector<16xi32>], vector<16xf32>,
      %mul3A_257 = arith.mulf %bitcast3A_255, %gather3A_256 : vector<16xf32>
      %add3A_258 = arith.addf %add3A_244, %mul3A_257 : vector<16xf32>
      %get3A_259 = arith.constant 18 : i32
      %get3A_260 = arith.index_cast %get3A_259 : i32 to index
      %get3A_261 = arith.index_cast %mul3A_10 : i32 to index
      %get3A_262 = tpu.vector_load %arg5[%get3A_260, %get3A_261] {strides = array<i32>} : memref<48x1024xi32, #tpu.memory_space<vmem>>, vector<16xi32>,
      %shift_right_arithmetic3A_263 = arith.constant 16 : i32
      %shift_right_arithmetic3A_264 = vector.broadcast %shift_right_arithmetic3A_263 : i32 to vector<16xi32>
      %shift_right_arithmetic3A_265 = arith.shrsi %get3A_262, %shift_right_arithmetic3A_264 : vector<16xi32>
      %shift_left3A_266 = arith.constant 16 : i32
      %shift_left3A_267 = vector.broadcast %shift_left3A_266 : i32 to vector<16xi32>
      %shift_left3A_268 = arith.shli %get3A_262, %shift_left3A_267 : vector<16xi32>
      %bitcast3A_269 = vector.bitcast %shift_left3A_268 : vector<16xi32> to vector<16xf32>
      %gather3A_270 = tpu.vector_load_idx %arg6[%shift_right_arithmetic3A_265] : memref<3072xf32, #tpu.memory_space<vmem>>[vector<16xi32>], vector<16xf32>,
      %mul3A_271 = arith.mulf %bitcast3A_269, %gather3A_270 : vector<16xf32>
      %add3A_272 = arith.addf %add3A_258, %mul3A_271 : vector<16xf32>
      %get3A_273 = arith.constant 19 : i32
      %get3A_274 = arith.index_cast %get3A_273 : i32 to index
      %get3A_275 = arith.index_cast %mul3A_10 : i32 to index
      %get3A_276 = tpu.vector_load %arg5[%get3A_274, %get3A_275] {strides = array<i32>} : memref<48x1024xi32, #tpu.memory_space<vmem>>, vector<16xi32>,
      %shift_right_arithmetic3A_277 = arith.constant 16 : i32
      %shift_right_arithmetic3A_278 = vector.broadcast %shift_right_arithmetic3A_277 : i32 to vector<16xi32>
      %shift_right_arithmetic3A_279 = arith.shrsi %get3A_276, %shift_right_arithmetic3A_278 : vector<16xi32>
      %shift_left3A_280 = arith.constant 16 : i32
      %shift_left3A_281 = vector.broadcast %shift_left3A_280 : i32 to vector<16xi32>
      %shift_left3A_282 = arith.shli %get3A_276, %shift_left3A_281 : vector<16xi32>
      %bitcast3A_283 = vector.bitcast %shift_left3A_282 : vector<16xi32> to vector<16xf32>
      %gather3A_284 = tpu.vector_load_idx %arg6[%shift_right_arithmetic3A_279] : memref<3072xf32, #tpu.memory_space<vmem>>[vector<16xi32>], vector<16xf32>,
      %mul3A_285 = arith.mulf %bitcast3A_283, %gather3A_284 : vector<16xf32>
      %add3A_286 = arith.addf %add3A_272, %mul3A_285 : vector<16xf32>
      %get3A_287 = arith.constant 20 : i32
      %get3A_288 = arith.index_cast %get3A_287 : i32 to index
      %get3A_289 = arith.index_cast %mul3A_10 : i32 to index
      %get3A_290 = tpu.vector_load %arg5[%get3A_288, %get3A_289] {strides = array<i32>} : memref<48x1024xi32, #tpu.memory_space<vmem>>, vector<16xi32>,
      %shift_right_arithmetic3A_291 = arith.constant 16 : i32
      %shift_right_arithmetic3A_292 = vector.broadcast %shift_right_arithmetic3A_291 : i32 to vector<16xi32>
      %shift_right_arithmetic3A_293 = arith.shrsi %get3A_290, %shift_right_arithmetic3A_292 : vector<16xi32>
      %shift_left3A_294 = arith.constant 16 : i32
      %shift_left3A_295 = vector.broadcast %shift_left3A_294 : i32 to vector<16xi32>
      %shift_left3A_296 = arith.shli %get3A_290, %shift_left3A_295 : vector<16xi32>
      %bitcast3A_297 = vector.bitcast %shift_left3A_296 : vector<16xi32> to vector<16xf32>
      %gather3A_298 = tpu.vector_load_idx %arg6[%shift_right_arithmetic3A_293] : memref<3072xf32, #tpu.memory_space<vmem>>[vector<16xi32>], vector<16xf32>,
      %mul3A_299 = arith.mulf %bitcast3A_297, %gather3A_298 : vector<16xf32>
      %add3A_300 = arith.addf %add3A_286, %mul3A_299 : vector<16xf32>
      %get3A_301 = arith.constant 21 : i32
      %get3A_302 = arith.index_cast %get3A_301 : i32 to index
      %get3A_303 = arith.index_cast %mul3A_10 : i32 to index
      %get3A_304 = tpu.vector_load %arg5[%get3A_302, %get3A_303] {strides = array<i32>} : memref<48x1024xi32, #tpu.memory_space<vmem>>, vector<16xi32>,
      %shift_right_arithmetic3A_305 = arith.constant 16 : i32
      %shift_right_arithmetic3A_306 = vector.broadcast %shift_right_arithmetic3A_305 : i32 to vector<16xi32>
      %shift_right_arithmetic3A_307 = arith.shrsi %get3A_304, %shift_right_arithmetic3A_306 : vector<16xi32>
      %shift_left3A_308 = arith.constant 16 : i32
      %shift_left3A_309 = vector.broadcast %shift_left3A_308 : i32 to vector<16xi32>
      %shift_left3A_310 = arith.shli %get3A_304, %shift_left3A_309 : vector<16xi32>
      %bitcast3A_311 = vector.bitcast %shift_left3A_310 : vector<16xi32> to vector<16xf32>
      %gather3A_312 = tpu.vector_load_idx %arg6[%shift_right_arithmetic3A_307] : memref<3072xf32, #tpu.memory_space<vmem>>[vector<16xi32>], vector<16xf32>,
      %mul3A_313 = arith.mulf %bitcast3A_311, %gather3A_312 : vector<16xf32>
      %add3A_314 = arith.addf %add3A_300, %mul3A_313 : vector<16xf32>
      %get3A_315 = arith.constant 22 : i32
      %get3A_316 = arith.index_cast %get3A_315 : i32 to index
      %get3A_317 = arith.index_cast %mul3A_10 : i32 to index
      %get3A_318 = tpu.vector_load %arg5[%get3A_316, %get3A_317] {strides = array<i32>} : memref<48x1024xi32, #tpu.memory_space<vmem>>, vector<16xi32>,
      %shift_right_arithmetic3A_319 = arith.constant 16 : i32
      %shift_right_arithmetic3A_320 = vector.broadcast %shift_right_arithmetic3A_319 : i32 to vector<16xi32>
      %shift_right_arithmetic3A_321 = arith.shrsi %get3A_318, %shift_right_arithmetic3A_320 : vector<16xi32>
      %shift_left3A_322 = arith.constant 16 : i32
      %shift_left3A_323 = vector.broadcast %shift_left3A_322 : i32 to vector<16xi32>
      %shift_left3A_324 = arith.shli %get3A_318, %shift_left3A_323 : vector<16xi32>
      %bitcast3A_325 = vector.bitcast %shift_left3A_324 : vector<16xi32> to vector<16xf32>
      %gather3A_326 = tpu.vector_load_idx %arg6[%shift_right_arithmetic3A_321] : memref<3072xf32, #tpu.memory_space<vmem>>[vector<16xi32>], vector<16xf32>,
      %mul3A_327 = arith.mulf %bitcast3A_325, %gather3A_326 : vector<16xf32>
      %add3A_328 = arith.addf %add3A_314, %mul3A_327 : vector<16xf32>
      %get3A_329 = arith.constant 23 : i32
      %get3A_330 = arith.index_cast %get3A_329 : i32 to index
      %get3A_331 = arith.index_cast %mul3A_10 : i32 to index
      %get3A_332 = tpu.vector_load %arg5[%get3A_330, %get3A_331] {strides = array<i32>} : memref<48x1024xi32, #tpu.memory_space<vmem>>, vector<16xi32>,
      %shift_right_arithmetic3A_333 = arith.constant 16 : i32
      %shift_right_arithmetic3A_334 = vector.broadcast %shift_right_arithmetic3A_333 : i32 to vector<16xi32>
      %shift_right_arithmetic3A_335 = arith.shrsi %get3A_332, %shift_right_arithmetic3A_334 : vector<16xi32>
      %shift_left3A_336 = arith.constant 16 : i32
      %shift_left3A_337 = vector.broadcast %shift_left3A_336 : i32 to vector<16xi32>
      %shift_left3A_338 = arith.shli %get3A_332, %shift_left3A_337 : vector<16xi32>
      %bitcast3A_339 = vector.bitcast %shift_left3A_338 : vector<16xi32> to vector<16xf32>
      %gather3A_340 = tpu.vector_load_idx %arg6[%shift_right_arithmetic3A_335] : memref<3072xf32, #tpu.memory_space<vmem>>[vector<16xi32>], vector<16xf32>,
      %mul3A_341 = arith.mulf %bitcast3A_339, %gather3A_340 : vector<16xf32>
      %add3A_342 = arith.addf %add3A_328, %mul3A_341 : vector<16xf32>
      %get3A_343 = arith.constant 24 : i32
      %get3A_344 = arith.index_cast %get3A_343 : i32 to index
      %get3A_345 = arith.index_cast %mul3A_10 : i32 to index
      %get3A_346 = tpu.vector_load %arg5[%get3A_344, %get3A_345] {strides = array<i32>} : memref<48x1024xi32, #tpu.memory_space<vmem>>, vector<16xi32>,
      %shift_right_arithmetic3A_347 = arith.constant 16 : i32
      %shift_right_arithmetic3A_348 = vector.broadcast %shift_right_arithmetic3A_347 : i32 to vector<16xi32>
      %shift_right_arithmetic3A_349 = arith.shrsi %get3A_346, %shift_right_arithmetic3A_348 : vector<16xi32>
      %shift_left3A_350 = arith.constant 16 : i32
      %shift_left3A_351 = vector.broadcast %shift_left3A_350 : i32 to vector<16xi32>
      %shift_left3A_352 = arith.shli %get3A_346, %shift_left3A_351 : vector<16xi32>
      %bitcast3A_353 = vector.bitcast %shift_left3A_352 : vector<16xi32> to vector<16xf32>
      %gather3A_354 = tpu.vector_load_idx %arg6[%shift_right_arithmetic3A_349] : memref<3072xf32, #tpu.memory_space<vmem>>[vector<16xi32>], vector<16xf32>,
      %mul3A_355 = arith.mulf %bitcast3A_353, %gather3A_354 : vector<16xf32>
      %add3A_356 = arith.addf %add3A_342, %mul3A_355 : vector<16xf32>
      %get3A_357 = arith.constant 25 : i32
      %get3A_358 = arith.index_cast %get3A_357 : i32 to index
      %get3A_359 = arith.index_cast %mul3A_10 : i32 to index
      %get3A_360 = tpu.vector_load %arg5[%get3A_358, %get3A_359] {strides = array<i32>} : memref<48x1024xi32, #tpu.memory_space<vmem>>, vector<16xi32>,
      %shift_right_arithmetic3A_361 = arith.constant 16 : i32
      %shift_right_arithmetic3A_362 = vector.broadcast %shift_right_arithmetic3A_361 : i32 to vector<16xi32>
      %shift_right_arithmetic3A_363 = arith.shrsi %get3A_360, %shift_right_arithmetic3A_362 : vector<16xi32>
      %shift_left3A_364 = arith.constant 16 : i32
      %shift_left3A_365 = vector.broadcast %shift_left3A_364 : i32 to vector<16xi32>
      %shift_left3A_366 = arith.shli %get3A_360, %shift_left3A_365 : vector<16xi32>
      %bitcast3A_367 = vector.bitcast %shift_left3A_366 : vector<16xi32> to vector<16xf32>
      %gather3A_368 = tpu.vector_load_idx %arg6[%shift_right_arithmetic3A_363] : memref<3072xf32, #tpu.memory_space<vmem>>[vector<16xi32>], vector<16xf32>,
      %mul3A_369 = arith.mulf %bitcast3A_367, %gather3A_368 : vector<16xf32>
      %add3A_370 = arith.addf %add3A_356, %mul3A_369 : vector<16xf32>
      %get3A_371 = arith.constant 26 : i32
      %get3A_372 = arith.index_cast %get3A_371 : i32 to index
      %get3A_373 = arith.index_cast %mul3A_10 : i32 to index
      %get3A_374 = tpu.vector_load %arg5[%get3A_372, %get3A_373] {strides = array<i32>} : memref<48x1024xi32, #tpu.memory_space<vmem>>, vector<16xi32>,
      %shift_right_arithmetic3A_375 = arith.constant 16 : i32
      %shift_right_arithmetic3A_376 = vector.broadcast %shift_right_arithmetic3A_375 : i32 to vector<16xi32>
      %shift_right_arithmetic3A_377 = arith.shrsi %get3A_374, %shift_right_arithmetic3A_376 : vector<16xi32>
      %shift_left3A_378 = arith.constant 16 : i32
      %shift_left3A_379 = vector.broadcast %shift_left3A_378 : i32 to vector<16xi32>
      %shift_left3A_380 = arith.shli %get3A_374, %shift_left3A_379 : vector<16xi32>
      %bitcast3A_381 = vector.bitcast %shift_left3A_380 : vector<16xi32> to vector<16xf32>
      %gather3A_382 = tpu.vector_load_idx %arg6[%shift_right_arithmetic3A_377] : memref<3072xf32, #tpu.memory_space<vmem>>[vector<16xi32>], vector<16xf32>,
      %mul3A_383 = arith.mulf %bitcast3A_381, %gather3A_382 : vector<16xf32>
      %add3A_384 = arith.addf %add3A_370, %mul3A_383 : vector<16xf32>
      %get3A_385 = arith.constant 27 : i32
      %get3A_386 = arith.index_cast %get3A_385 : i32 to index
      %get3A_387 = arith.index_cast %mul3A_10 : i32 to index
      %get3A_388 = tpu.vector_load %arg5[%get3A_386, %get3A_387] {strides = array<i32>} : memref<48x1024xi32, #tpu.memory_space<vmem>>, vector<16xi32>,
      %shift_right_arithmetic3A_389 = arith.constant 16 : i32
      %shift_right_arithmetic3A_390 = vector.broadcast %shift_right_arithmetic3A_389 : i32 to vector<16xi32>
      %shift_right_arithmetic3A_391 = arith.shrsi %get3A_388, %shift_right_arithmetic3A_390 : vector<16xi32>
      %shift_left3A_392 = arith.constant 16 : i32
      %shift_left3A_393 = vector.broadcast %shift_left3A_392 : i32 to vector<16xi32>
      %shift_left3A_394 = arith.shli %get3A_388, %shift_left3A_393 : vector<16xi32>
      %bitcast3A_395 = vector.bitcast %shift_left3A_394 : vector<16xi32> to vector<16xf32>
      %gather3A_396 = tpu.vector_load_idx %arg6[%shift_right_arithmetic3A_391] : memref<3072xf32, #tpu.memory_space<vmem>>[vector<16xi32>], vector<16xf32>,
      %mul3A_397 = arith.mulf %bitcast3A_395, %gather3A_396 : vector<16xf32>
      %add3A_398 = arith.addf %add3A_384, %mul3A_397 : vector<16xf32>
      %get3A_399 = arith.constant 28 : i32
      %get3A_400 = arith.index_cast %get3A_399 : i32 to index
      %get3A_401 = arith.index_cast %mul3A_10 : i32 to index
      %get3A_402 = tpu.vector_load %arg5[%get3A_400, %get3A_401] {strides = array<i32>} : memref<48x1024xi32, #tpu.memory_space<vmem>>, vector<16xi32>,
      %shift_right_arithmetic3A_403 = arith.constant 16 : i32
      %shift_right_arithmetic3A_404 = vector.broadcast %shift_right_arithmetic3A_403 : i32 to vector<16xi32>
      %shift_right_arithmetic3A_405 = arith.shrsi %get3A_402, %shift_right_arithmetic3A_404 : vector<16xi32>
      %shift_left3A_406 = arith.constant 16 : i32
      %shift_left3A_407 = vector.broadcast %shift_left3A_406 : i32 to vector<16xi32>
      %shift_left3A_408 = arith.shli %get3A_402, %shift_left3A_407 : vector<16xi32>
      %bitcast3A_409 = vector.bitcast %shift_left3A_408 : vector<16xi32> to vector<16xf32>
      %gather3A_410 = tpu.vector_load_idx %arg6[%shift_right_arithmetic3A_405] : memref<3072xf32, #tpu.memory_space<vmem>>[vector<16xi32>], vector<16xf32>,
      %mul3A_411 = arith.mulf %bitcast3A_409, %gather3A_410 : vector<16xf32>
      %add3A_412 = arith.addf %add3A_398, %mul3A_411 : vector<16xf32>
      %get3A_413 = arith.constant 29 : i32
      %get3A_414 = arith.index_cast %get3A_413 : i32 to index
      %get3A_415 = arith.index_cast %mul3A_10 : i32 to index
      %get3A_416 = tpu.vector_load %arg5[%get3A_414, %get3A_415] {strides = array<i32>} : memref<48x1024xi32, #tpu.memory_space<vmem>>, vector<16xi32>,
      %shift_right_arithmetic3A_417 = arith.constant 16 : i32
      %shift_right_arithmetic3A_418 = vector.broadcast %shift_right_arithmetic3A_417 : i32 to vector<16xi32>
      %shift_right_arithmetic3A_419 = arith.shrsi %get3A_416, %shift_right_arithmetic3A_418 : vector<16xi32>
      %shift_left3A_420 = arith.constant 16 : i32
      %shift_left3A_421 = vector.broadcast %shift_left3A_420 : i32 to vector<16xi32>
      %shift_left3A_422 = arith.shli %get3A_416, %shift_left3A_421 : vector<16xi32>
      %bitcast3A_423 = vector.bitcast %shift_left3A_422 : vector<16xi32> to vector<16xf32>
      %gather3A_424 = tpu.vector_load_idx %arg6[%shift_right_arithmetic3A_419] : memref<3072xf32, #tpu.memory_space<vmem>>[vector<16xi32>], vector<16xf32>,
      %mul3A_425 = arith.mulf %bitcast3A_423, %gather3A_424 : vector<16xf32>
      %add3A_426 = arith.addf %add3A_412, %mul3A_425 : vector<16xf32>
      %get3A_427 = arith.constant 30 : i32
      %get3A_428 = arith.index_cast %get3A_427 : i32 to index
      %get3A_429 = arith.index_cast %mul3A_10 : i32 to index
      %get3A_430 = tpu.vector_load %arg5[%get3A_428, %get3A_429] {strides = array<i32>} : memref<48x1024xi32, #tpu.memory_space<vmem>>, vector<16xi32>,
      %shift_right_arithmetic3A_431 = arith.constant 16 : i32
      %shift_right_arithmetic3A_432 = vector.broadcast %shift_right_arithmetic3A_431 : i32 to vector<16xi32>
      %shift_right_arithmetic3A_433 = arith.shrsi %get3A_430, %shift_right_arithmetic3A_432 : vector<16xi32>
      %shift_left3A_434 = arith.constant 16 : i32
      %shift_left3A_435 = vector.broadcast %shift_left3A_434 : i32 to vector<16xi32>
      %shift_left3A_436 = arith.shli %get3A_430, %shift_left3A_435 : vector<16xi32>
      %bitcast3A_437 = vector.bitcast %shift_left3A_436 : vector<16xi32> to vector<16xf32>
      %gather3A_438 = tpu.vector_load_idx %arg6[%shift_right_arithmetic3A_433] : memref<3072xf32, #tpu.memory_space<vmem>>[vector<16xi32>], vector<16xf32>,
      %mul3A_439 = arith.mulf %bitcast3A_437, %gather3A_438 : vector<16xf32>
      %add3A_440 = arith.addf %add3A_426, %mul3A_439 : vector<16xf32>
      %get3A_441 = arith.constant 31 : i32
      %get3A_442 = arith.index_cast %get3A_441 : i32 to index
      %get3A_443 = arith.index_cast %mul3A_10 : i32 to index
      %get3A_444 = tpu.vector_load %arg5[%get3A_442, %get3A_443] {strides = array<i32>} : memref<48x1024xi32, #tpu.memory_space<vmem>>, vector<16xi32>,
      %shift_right_arithmetic3A_445 = arith.constant 16 : i32
      %shift_right_arithmetic3A_446 = vector.broadcast %shift_right_arithmetic3A_445 : i32 to vector<16xi32>
      %shift_right_arithmetic3A_447 = arith.shrsi %get3A_444, %shift_right_arithmetic3A_446 : vector<16xi32>
      %shift_left3A_448 = arith.constant 16 : i32
      %shift_left3A_449 = vector.broadcast %shift_left3A_448 : i32 to vector<16xi32>
      %shift_left3A_450 = arith.shli %get3A_444, %shift_left3A_449 : vector<16xi32>
      %bitcast3A_451 = vector.bitcast %shift_left3A_450 : vector<16xi32> to vector<16xf32>
      %gather3A_452 = tpu.vector_load_idx %arg6[%shift_right_arithmetic3A_447] : memref<3072xf32, #tpu.memory_space<vmem>>[vector<16xi32>], vector<16xf32>,
      %mul3A_453 = arith.mulf %bitcast3A_451, %gather3A_452 : vector<16xf32>
      %add3A_454 = arith.addf %add3A_440, %mul3A_453 : vector<16xf32>
      %get3A_455 = arith.constant 32 : i32
      %get3A_456 = arith.index_cast %get3A_455 : i32 to index
      %get3A_457 = arith.index_cast %mul3A_10 : i32 to index
      %get3A_458 = tpu.vector_load %arg5[%get3A_456, %get3A_457] {strides = array<i32>} : memref<48x1024xi32, #tpu.memory_space<vmem>>, vector<16xi32>,
      %shift_right_arithmetic3A_459 = arith.constant 16 : i32
      %shift_right_arithmetic3A_460 = vector.broadcast %shift_right_arithmetic3A_459 : i32 to vector<16xi32>
      %shift_right_arithmetic3A_461 = arith.shrsi %get3A_458, %shift_right_arithmetic3A_460 : vector<16xi32>
      %shift_left3A_462 = arith.constant 16 : i32
      %shift_left3A_463 = vector.broadcast %shift_left3A_462 : i32 to vector<16xi32>
      %shift_left3A_464 = arith.shli %get3A_458, %shift_left3A_463 : vector<16xi32>
      %bitcast3A_465 = vector.bitcast %shift_left3A_464 : vector<16xi32> to vector<16xf32>
      %gather3A_466 = tpu.vector_load_idx %arg6[%shift_right_arithmetic3A_461] : memref<3072xf32, #tpu.memory_space<vmem>>[vector<16xi32>], vector<16xf32>,
      %mul3A_467 = arith.mulf %bitcast3A_465, %gather3A_466 : vector<16xf32>
      %add3A_468 = arith.addf %add3A_454, %mul3A_467 : vector<16xf32>
      %get3A_469 = arith.constant 33 : i32
      %get3A_470 = arith.index_cast %get3A_469 : i32 to index
      %get3A_471 = arith.index_cast %mul3A_10 : i32 to index
      %get3A_472 = tpu.vector_load %arg5[%get3A_470, %get3A_471] {strides = array<i32>} : memref<48x1024xi32, #tpu.memory_space<vmem>>, vector<16xi32>,
      %shift_right_arithmetic3A_473 = arith.constant 16 : i32
      %shift_right_arithmetic3A_474 = vector.broadcast %shift_right_arithmetic3A_473 : i32 to vector<16xi32>
      %shift_right_arithmetic3A_475 = arith.shrsi %get3A_472, %shift_right_arithmetic3A_474 : vector<16xi32>
      %shift_left3A_476 = arith.constant 16 : i32
      %shift_left3A_477 = vector.broadcast %shift_left3A_476 : i32 to vector<16xi32>
      %shift_left3A_478 = arith.shli %get3A_472, %shift_left3A_477 : vector<16xi32>
      %bitcast3A_479 = vector.bitcast %shift_left3A_478 : vector<16xi32> to vector<16xf32>
      %gather3A_480 = tpu.vector_load_idx %arg6[%shift_right_arithmetic3A_475] : memref<3072xf32, #tpu.memory_space<vmem>>[vector<16xi32>], vector<16xf32>,
      %mul3A_481 = arith.mulf %bitcast3A_479, %gather3A_480 : vector<16xf32>
      %add3A_482 = arith.addf %add3A_468, %mul3A_481 : vector<16xf32>
      %get3A_483 = arith.constant 34 : i32
      %get3A_484 = arith.index_cast %get3A_483 : i32 to index
      %get3A_485 = arith.index_cast %mul3A_10 : i32 to index
      %get3A_486 = tpu.vector_load %arg5[%get3A_484, %get3A_485] {strides = array<i32>} : memref<48x1024xi32, #tpu.memory_space<vmem>>, vector<16xi32>,
      %shift_right_arithmetic3A_487 = arith.constant 16 : i32
      %shift_right_arithmetic3A_488 = vector.broadcast %shift_right_arithmetic3A_487 : i32 to vector<16xi32>
      %shift_right_arithmetic3A_489 = arith.shrsi %get3A_486, %shift_right_arithmetic3A_488 : vector<16xi32>
      %shift_left3A_490 = arith.constant 16 : i32
      %shift_left3A_491 = vector.broadcast %shift_left3A_490 : i32 to vector<16xi32>
      %shift_left3A_492 = arith.shli %get3A_486, %shift_left3A_491 : vector<16xi32>
      %bitcast3A_493 = vector.bitcast %shift_left3A_492 : vector<16xi32> to vector<16xf32>
      %gather3A_494 = tpu.vector_load_idx %arg6[%shift_right_arithmetic3A_489] : memref<3072xf32, #tpu.memory_space<vmem>>[vector<16xi32>], vector<16xf32>,
      %mul3A_495 = arith.mulf %bitcast3A_493, %gather3A_494 : vector<16xf32>
      %add3A_496 = arith.addf %add3A_482, %mul3A_495 : vector<16xf32>
      %get3A_497 = arith.constant 35 : i32
      %get3A_498 = arith.index_cast %get3A_497 : i32 to index
      %get3A_499 = arith.index_cast %mul3A_10 : i32 to index
      %get3A_500 = tpu.vector_load %arg5[%get3A_498, %get3A_499] {strides = array<i32>} : memref<48x1024xi32, #tpu.memory_space<vmem>>, vector<16xi32>,
      %shift_right_arithmetic3A_501 = arith.constant 16 : i32
      %shift_right_arithmetic3A_502 = vector.broadcast %shift_right_arithmetic3A_501 : i32 to vector<16xi32>
      %shift_right_arithmetic3A_503 = arith.shrsi %get3A_500, %shift_right_arithmetic3A_502 : vector<16xi32>
      %shift_left3A_504 = arith.constant 16 : i32
      %shift_left3A_505 = vector.broadcast %shift_left3A_504 : i32 to vector<16xi32>
      %shift_left3A_506 = arith.shli %get3A_500, %shift_left3A_505 : vector<16xi32>
      %bitcast3A_507 = vector.bitcast %shift_left3A_506 : vector<16xi32> to vector<16xf32>
      %gather3A_508 = tpu.vector_load_idx %arg6[%shift_right_arithmetic3A_503] : memref<3072xf32, #tpu.memory_space<vmem>>[vector<16xi32>], vector<16xf32>,
      %mul3A_509 = arith.mulf %bitcast3A_507, %gather3A_508 : vector<16xf32>
      %add3A_510 = arith.addf %add3A_496, %mul3A_509 : vector<16xf32>
      %get3A_511 = arith.constant 36 : i32
      %get3A_512 = arith.index_cast %get3A_511 : i32 to index
      %get3A_513 = arith.index_cast %mul3A_10 : i32 to index
      %get3A_514 = tpu.vector_load %arg5[%get3A_512, %get3A_513] {strides = array<i32>} : memref<48x1024xi32, #tpu.memory_space<vmem>>, vector<16xi32>,
      %shift_right_arithmetic3A_515 = arith.constant 16 : i32
      %shift_right_arithmetic3A_516 = vector.broadcast %shift_right_arithmetic3A_515 : i32 to vector<16xi32>
      %shift_right_arithmetic3A_517 = arith.shrsi %get3A_514, %shift_right_arithmetic3A_516 : vector<16xi32>
      %shift_left3A_518 = arith.constant 16 : i32
      %shift_left3A_519 = vector.broadcast %shift_left3A_518 : i32 to vector<16xi32>
      %shift_left3A_520 = arith.shli %get3A_514, %shift_left3A_519 : vector<16xi32>
      %bitcast3A_521 = vector.bitcast %shift_left3A_520 : vector<16xi32> to vector<16xf32>
      %gather3A_522 = tpu.vector_load_idx %arg6[%shift_right_arithmetic3A_517] : memref<3072xf32, #tpu.memory_space<vmem>>[vector<16xi32>], vector<16xf32>,
      %mul3A_523 = arith.mulf %bitcast3A_521, %gather3A_522 : vector<16xf32>
      %add3A_524 = arith.addf %add3A_510, %mul3A_523 : vector<16xf32>
      %get3A_525 = arith.constant 37 : i32
      %get3A_526 = arith.index_cast %get3A_525 : i32 to index
      %get3A_527 = arith.index_cast %mul3A_10 : i32 to index
      %get3A_528 = tpu.vector_load %arg5[%get3A_526, %get3A_527] {strides = array<i32>} : memref<48x1024xi32, #tpu.memory_space<vmem>>, vector<16xi32>,
      %shift_right_arithmetic3A_529 = arith.constant 16 : i32
      %shift_right_arithmetic3A_530 = vector.broadcast %shift_right_arithmetic3A_529 : i32 to vector<16xi32>
      %shift_right_arithmetic3A_531 = arith.shrsi %get3A_528, %shift_right_arithmetic3A_530 : vector<16xi32>
      %shift_left3A_532 = arith.constant 16 : i32
      %shift_left3A_533 = vector.broadcast %shift_left3A_532 : i32 to vector<16xi32>
      %shift_left3A_534 = arith.shli %get3A_528, %shift_left3A_533 : vector<16xi32>
      %bitcast3A_535 = vector.bitcast %shift_left3A_534 : vector<16xi32> to vector<16xf32>
      %gather3A_536 = tpu.vector_load_idx %arg6[%shift_right_arithmetic3A_531] : memref<3072xf32, #tpu.memory_space<vmem>>[vector<16xi32>], vector<16xf32>,
      %mul3A_537 = arith.mulf %bitcast3A_535, %gather3A_536 : vector<16xf32>
      %add3A_538 = arith.addf %add3A_524, %mul3A_537 : vector<16xf32>
      %get3A_539 = arith.constant 38 : i32
      %get3A_540 = arith.index_cast %get3A_539 : i32 to index
      %get3A_541 = arith.index_cast %mul3A_10 : i32 to index
      %get3A_542 = tpu.vector_load %arg5[%get3A_540, %get3A_541] {strides = array<i32>} : memref<48x1024xi32, #tpu.memory_space<vmem>>, vector<16xi32>,
      %shift_right_arithmetic3A_543 = arith.constant 16 : i32
      %shift_right_arithmetic3A_544 = vector.broadcast %shift_right_arithmetic3A_543 : i32 to vector<16xi32>
      %shift_right_arithmetic3A_545 = arith.shrsi %get3A_542, %shift_right_arithmetic3A_544 : vector<16xi32>
      %shift_left3A_546 = arith.constant 16 : i32
      %shift_left3A_547 = vector.broadcast %shift_left3A_546 : i32 to vector<16xi32>
      %shift_left3A_548 = arith.shli %get3A_542, %shift_left3A_547 : vector<16xi32>
      %bitcast3A_549 = vector.bitcast %shift_left3A_548 : vector<16xi32> to vector<16xf32>
      %gather3A_550 = tpu.vector_load_idx %arg6[%shift_right_arithmetic3A_545] : memref<3072xf32, #tpu.memory_space<vmem>>[vector<16xi32>], vector<16xf32>,
      %mul3A_551 = arith.mulf %bitcast3A_549, %gather3A_550 : vector<16xf32>
      %add3A_552 = arith.addf %add3A_538, %mul3A_551 : vector<16xf32>
      %get3A_553 = arith.constant 39 : i32
      %get3A_554 = arith.index_cast %get3A_553 : i32 to index
      %get3A_555 = arith.index_cast %mul3A_10 : i32 to index
      %get3A_556 = tpu.vector_load %arg5[%get3A_554, %get3A_555] {strides = array<i32>} : memref<48x1024xi32, #tpu.memory_space<vmem>>, vector<16xi32>,
      %shift_right_arithmetic3A_557 = arith.constant 16 : i32
      %shift_right_arithmetic3A_558 = vector.broadcast %shift_right_arithmetic3A_557 : i32 to vector<16xi32>
      %shift_right_arithmetic3A_559 = arith.shrsi %get3A_556, %shift_right_arithmetic3A_558 : vector<16xi32>
      %shift_left3A_560 = arith.constant 16 : i32
      %shift_left3A_561 = vector.broadcast %shift_left3A_560 : i32 to vector<16xi32>
      %shift_left3A_562 = arith.shli %get3A_556, %shift_left3A_561 : vector<16xi32>
      %bitcast3A_563 = vector.bitcast %shift_left3A_562 : vector<16xi32> to vector<16xf32>
      %gather3A_564 = tpu.vector_load_idx %arg6[%shift_right_arithmetic3A_559] : memref<3072xf32, #tpu.memory_space<vmem>>[vector<16xi32>], vector<16xf32>,
      %mul3A_565 = arith.mulf %bitcast3A_563, %gather3A_564 : vector<16xf32>
      %add3A_566 = arith.addf %add3A_552, %mul3A_565 : vector<16xf32>
      %get3A_567 = arith.constant 40 : i32
      %get3A_568 = arith.index_cast %get3A_567 : i32 to index
      %get3A_569 = arith.index_cast %mul3A_10 : i32 to index
      %get3A_570 = tpu.vector_load %arg5[%get3A_568, %get3A_569] {strides = array<i32>} : memref<48x1024xi32, #tpu.memory_space<vmem>>, vector<16xi32>,
      %shift_right_arithmetic3A_571 = arith.constant 16 : i32
      %shift_right_arithmetic3A_572 = vector.broadcast %shift_right_arithmetic3A_571 : i32 to vector<16xi32>
      %shift_right_arithmetic3A_573 = arith.shrsi %get3A_570, %shift_right_arithmetic3A_572 : vector<16xi32>
      %shift_left3A_574 = arith.constant 16 : i32
      %shift_left3A_575 = vector.broadcast %shift_left3A_574 : i32 to vector<16xi32>
      %shift_left3A_576 = arith.shli %get3A_570, %shift_left3A_575 : vector<16xi32>
      %bitcast3A_577 = vector.bitcast %shift_left3A_576 : vector<16xi32> to vector<16xf32>
      %gather3A_578 = tpu.vector_load_idx %arg6[%shift_right_arithmetic3A_573] : memref<3072xf32, #tpu.memory_space<vmem>>[vector<16xi32>], vector<16xf32>,
      %mul3A_579 = arith.mulf %bitcast3A_577, %gather3A_578 : vector<16xf32>
      %add3A_580 = arith.addf %add3A_566, %mul3A_579 : vector<16xf32>
      %get3A_581 = arith.constant 41 : i32
      %get3A_582 = arith.index_cast %get3A_581 : i32 to index
      %get3A_583 = arith.index_cast %mul3A_10 : i32 to index
      %get3A_584 = tpu.vector_load %arg5[%get3A_582, %get3A_583] {strides = array<i32>} : memref<48x1024xi32, #tpu.memory_space<vmem>>, vector<16xi32>,
      %shift_right_arithmetic3A_585 = arith.constant 16 : i32
      %shift_right_arithmetic3A_586 = vector.broadcast %shift_right_arithmetic3A_585 : i32 to vector<16xi32>
      %shift_right_arithmetic3A_587 = arith.shrsi %get3A_584, %shift_right_arithmetic3A_586 : vector<16xi32>
      %shift_left3A_588 = arith.constant 16 : i32
      %shift_left3A_589 = vector.broadcast %shift_left3A_588 : i32 to vector<16xi32>
      %shift_left3A_590 = arith.shli %get3A_584, %shift_left3A_589 : vector<16xi32>
      %bitcast3A_591 = vector.bitcast %shift_left3A_590 : vector<16xi32> to vector<16xf32>
      %gather3A_592 = tpu.vector_load_idx %arg6[%shift_right_arithmetic3A_587] : memref<3072xf32, #tpu.memory_space<vmem>>[vector<16xi32>], vector<16xf32>,
      %mul3A_593 = arith.mulf %bitcast3A_591, %gather3A_592 : vector<16xf32>
      %add3A_594 = arith.addf %add3A_580, %mul3A_593 : vector<16xf32>
      %get3A_595 = arith.constant 42 : i32
      %get3A_596 = arith.index_cast %get3A_595 : i32 to index
      %get3A_597 = arith.index_cast %mul3A_10 : i32 to index
      %get3A_598 = tpu.vector_load %arg5[%get3A_596, %get3A_597] {strides = array<i32>} : memref<48x1024xi32, #tpu.memory_space<vmem>>, vector<16xi32>,
      %shift_right_arithmetic3A_599 = arith.constant 16 : i32
      %shift_right_arithmetic3A_600 = vector.broadcast %shift_right_arithmetic3A_599 : i32 to vector<16xi32>
      %shift_right_arithmetic3A_601 = arith.shrsi %get3A_598, %shift_right_arithmetic3A_600 : vector<16xi32>
      %shift_left3A_602 = arith.constant 16 : i32
      %shift_left3A_603 = vector.broadcast %shift_left3A_602 : i32 to vector<16xi32>
      %shift_left3A_604 = arith.shli %get3A_598, %shift_left3A_603 : vector<16xi32>
      %bitcast3A_605 = vector.bitcast %shift_left3A_604 : vector<16xi32> to vector<16xf32>
      %gather3A_606 = tpu.vector_load_idx %arg6[%shift_right_arithmetic3A_601] : memref<3072xf32, #tpu.memory_space<vmem>>[vector<16xi32>], vector<16xf32>,
      %mul3A_607 = arith.mulf %bitcast3A_605, %gather3A_606 : vector<16xf32>
      %add3A_608 = arith.addf %add3A_594, %mul3A_607 : vector<16xf32>
      %get3A_609 = arith.constant 43 : i32
      %get3A_610 = arith.index_cast %get3A_609 : i32 to index
      %get3A_611 = arith.index_cast %mul3A_10 : i32 to index
      %get3A_612 = tpu.vector_load %arg5[%get3A_610, %get3A_611] {strides = array<i32>} : memref<48x1024xi32, #tpu.memory_space<vmem>>, vector<16xi32>,
      %shift_right_arithmetic3A_613 = arith.constant 16 : i32
      %shift_right_arithmetic3A_614 = vector.broadcast %shift_right_arithmetic3A_613 : i32 to vector<16xi32>
      %shift_right_arithmetic3A_615 = arith.shrsi %get3A_612, %shift_right_arithmetic3A_614 : vector<16xi32>
      %shift_left3A_616 = arith.constant 16 : i32
      %shift_left3A_617 = vector.broadcast %shift_left3A_616 : i32 to vector<16xi32>
      %shift_left3A_618 = arith.shli %get3A_612, %shift_left3A_617 : vector<16xi32>
      %bitcast3A_619 = vector.bitcast %shift_left3A_618 : vector<16xi32> to vector<16xf32>
      %gather3A_620 = tpu.vector_load_idx %arg6[%shift_right_arithmetic3A_615] : memref<3072xf32, #tpu.memory_space<vmem>>[vector<16xi32>], vector<16xf32>,
      %mul3A_621 = arith.mulf %bitcast3A_619, %gather3A_620 : vector<16xf32>
      %add3A_622 = arith.addf %add3A_608, %mul3A_621 : vector<16xf32>
      %get3A_623 = arith.constant 44 : i32
      %get3A_624 = arith.index_cast %get3A_623 : i32 to index
      %get3A_625 = arith.index_cast %mul3A_10 : i32 to index
      %get3A_626 = tpu.vector_load %arg5[%get3A_624, %get3A_625] {strides = array<i32>} : memref<48x1024xi32, #tpu.memory_space<vmem>>, vector<16xi32>,
      %shift_right_arithmetic3A_627 = arith.constant 16 : i32
      %shift_right_arithmetic3A_628 = vector.broadcast %shift_right_arithmetic3A_627 : i32 to vector<16xi32>
      %shift_right_arithmetic3A_629 = arith.shrsi %get3A_626, %shift_right_arithmetic3A_628 : vector<16xi32>
      %shift_left3A_630 = arith.constant 16 : i32
      %shift_left3A_631 = vector.broadcast %shift_left3A_630 : i32 to vector<16xi32>
      %shift_left3A_632 = arith.shli %get3A_626, %shift_left3A_631 : vector<16xi32>
      %bitcast3A_633 = vector.bitcast %shift_left3A_632 : vector<16xi32> to vector<16xf32>
      %gather3A_634 = tpu.vector_load_idx %arg6[%shift_right_arithmetic3A_629] : memref<3072xf32, #tpu.memory_space<vmem>>[vector<16xi32>], vector<16xf32>,
      %mul3A_635 = arith.mulf %bitcast3A_633, %gather3A_634 : vector<16xf32>
      %add3A_636 = arith.addf %add3A_622, %mul3A_635 : vector<16xf32>
      %get3A_637 = arith.constant 45 : i32
      %get3A_638 = arith.index_cast %get3A_637 : i32 to index
      %get3A_639 = arith.index_cast %mul3A_10 : i32 to index
      %get3A_640 = tpu.vector_load %arg5[%get3A_638, %get3A_639] {strides = array<i32>} : memref<48x1024xi32, #tpu.memory_space<vmem>>, vector<16xi32>,
      %shift_right_arithmetic3A_641 = arith.constant 16 : i32
      %shift_right_arithmetic3A_642 = vector.broadcast %shift_right_arithmetic3A_641 : i32 to vector<16xi32>
      %shift_right_arithmetic3A_643 = arith.shrsi %get3A_640, %shift_right_arithmetic3A_642 : vector<16xi32>
      %shift_left3A_644 = arith.constant 16 : i32
      %shift_left3A_645 = vector.broadcast %shift_left3A_644 : i32 to vector<16xi32>
      %shift_left3A_646 = arith.shli %get3A_640, %shift_left3A_645 : vector<16xi32>
      %bitcast3A_647 = vector.bitcast %shift_left3A_646 : vector<16xi32> to vector<16xf32>
      %gather3A_648 = tpu.vector_load_idx %arg6[%shift_right_arithmetic3A_643] : memref<3072xf32, #tpu.memory_space<vmem>>[vector<16xi32>], vector<16xf32>,
      %mul3A_649 = arith.mulf %bitcast3A_647, %gather3A_648 : vector<16xf32>
      %add3A_650 = arith.addf %add3A_636, %mul3A_649 : vector<16xf32>
      %get3A_651 = arith.constant 46 : i32
      %get3A_652 = arith.index_cast %get3A_651 : i32 to index
      %get3A_653 = arith.index_cast %mul3A_10 : i32 to index
      %get3A_654 = tpu.vector_load %arg5[%get3A_652, %get3A_653] {strides = array<i32>} : memref<48x1024xi32, #tpu.memory_space<vmem>>, vector<16xi32>,
      %shift_right_arithmetic3A_655 = arith.constant 16 : i32
      %shift_right_arithmetic3A_656 = vector.broadcast %shift_right_arithmetic3A_655 : i32 to vector<16xi32>
      %shift_right_arithmetic3A_657 = arith.shrsi %get3A_654, %shift_right_arithmetic3A_656 : vector<16xi32>
      %shift_left3A_658 = arith.constant 16 : i32
      %shift_left3A_659 = vector.broadcast %shift_left3A_658 : i32 to vector<16xi32>
      %shift_left3A_660 = arith.shli %get3A_654, %shift_left3A_659 : vector<16xi32>
      %bitcast3A_661 = vector.bitcast %shift_left3A_660 : vector<16xi32> to vector<16xf32>
      %gather3A_662 = tpu.vector_load_idx %arg6[%shift_right_arithmetic3A_657] : memref<3072xf32, #tpu.memory_space<vmem>>[vector<16xi32>], vector<16xf32>,
      %mul3A_663 = arith.mulf %bitcast3A_661, %gather3A_662 : vector<16xf32>
      %add3A_664 = arith.addf %add3A_650, %mul3A_663 : vector<16xf32>
      %get3A_665 = arith.constant 47 : i32
      %get3A_666 = arith.index_cast %get3A_665 : i32 to index
      %get3A_667 = arith.index_cast %mul3A_10 : i32 to index
      %get3A_668 = tpu.vector_load %arg5[%get3A_666, %get3A_667] {strides = array<i32>} : memref<48x1024xi32, #tpu.memory_space<vmem>>, vector<16xi32>,
      %shift_right_arithmetic3A_669 = arith.constant 16 : i32
      %shift_right_arithmetic3A_670 = vector.broadcast %shift_right_arithmetic3A_669 : i32 to vector<16xi32>
      %shift_right_arithmetic3A_671 = arith.shrsi %get3A_668, %shift_right_arithmetic3A_670 : vector<16xi32>
      %shift_left3A_672 = arith.constant 16 : i32
      %shift_left3A_673 = vector.broadcast %shift_left3A_672 : i32 to vector<16xi32>
      %shift_left3A_674 = arith.shli %get3A_668, %shift_left3A_673 : vector<16xi32>
      %bitcast3A_675 = vector.bitcast %shift_left3A_674 : vector<16xi32> to vector<16xf32>
      %gather3A_676 = tpu.vector_load_idx %arg6[%shift_right_arithmetic3A_671] : memref<3072xf32, #tpu.memory_space<vmem>>[vector<16xi32>], vector<16xf32>,
      %mul3A_677 = arith.mulf %bitcast3A_675, %gather3A_676 : vector<16xf32>
      %add3A_678 = arith.addf %add3A_664, %mul3A_677 : vector<16xf32>
      %swap3A = arith.index_cast %mul3A_10 : i32 to index
      %swap3A_679 = tpu.vector_load %arg7[%swap3A] {strides = array<i32>} : memref<1024xf32, #tpu.memory_space<vmem>>, vector<16xf32>,
      tpu.vector_store %arg7[%swap3A], %add3A_678 {strides = array<i32>} : memref<1024xf32, #tpu.memory_space<vmem>>, vector<16xf32>,
    }
    %scan3A_7 = arith.constant 64 : i32
    "tpu.region"() ({
      %run_scoped3A = tpu.sem_alloc : memref<!tpu.dma_semaphore, #tpu.memory_space<semaphore_mem>>
      %dma_start3A = tpu.memref_slice %arg4[%mul3A_2] : memref<32768xf32, #tpu.memory_space<hbm>> -> memref<1024xf32, #tpu.memory_space<hbm>>
      %dma_start3A_8 = tpu.memref_slice %arg4[%mul3A_2] : memref<32768xf32, #tpu.memory_space<hbm>> -> memref<1024xf32, #tpu.memory_space<hbm>>
      tpu.enqueue_dma source(%arg7 : memref<1024xf32, #tpu.memory_space<vmem>>) target(%dma_start3A_8 : memref<1024xf32, #tpu.memory_space<hbm>>) target_semaphore(%run_scoped3A : memref<!tpu.dma_semaphore, #tpu.memory_space<semaphore_mem>>)
      %dma_wait3A = tpu.memref_slice %arg4[%mul3A_2] : memref<32768xf32, #tpu.memory_space<hbm>> -> memref<1024xf32, #tpu.memory_space<hbm>>
      %dma_wait3A_9 = tpu.memref_slice %arg4[%mul3A_2] : memref<32768xf32, #tpu.memory_space<hbm>> -> memref<1024xf32, #tpu.memory_space<hbm>>
      tpu.wait_dma2 semaphore(%run_scoped3A : memref<!tpu.dma_semaphore, #tpu.memory_space<semaphore_mem>>) src(%arg7 : memref<1024xf32, #tpu.memory_space<vmem>>) dst(%dma_wait3A_9 : memref<1024xf32, #tpu.memory_space<hbm>>)
      tpu.yield
    }) : () -> ()
    return
  }
}

module attributes {stable_mosaic.version = 14 : i64} {
  func.func @body(%arg0: i32, %arg1: memref<4096x768xf32, #tpu.memory_space<vmem>>, %arg2: memref<768x96xf32, #tpu.memory_space<vmem>>, %arg3: memref<8x96xf32, #tpu.memory_space<vmem>>, %arg4: memref<48x48xf32, #tpu.memory_space<vmem>>, %arg5: memref<48x4096xi32, #tpu.memory_space<vmem>>, %arg6: memref<4x768xf32, #tpu.memory_space<vmem>>) attributes {dimension_semantics = [#tpu.dimension_semantics<arbitrary>], iteration_bounds = array<i64: 8>, scalar_prefetch = 0 : i64, scratch_operands = 0 : i64, tpu.core_type = #tpu.core_type<tc>, window_params = [{transform_indices = @transform_0, window_bounds = array<i64: 4096, 768>}, {pipeline_mode = #tpu.pipeline_mode<synchronous>, transform_indices = @transform_1, window_bounds = array<i64: 768, 96>}, {pipeline_mode = #tpu.pipeline_mode<synchronous>, transform_indices = @transform_2, window_bounds = array<i64: 8, 96>}, {pipeline_mode = #tpu.pipeline_mode<synchronous>, transform_indices = @transform_3, window_bounds = array<i64: 48, 48>}, {transform_indices = @transform_4, window_bounds = array<i64: 48, 4096>}, {pipeline_mode = #tpu.pipeline_mode<synchronous>, transform_indices = @transform_5, window_bounds = array<i64: 4, 768>}]} {
    %get3A = arith.constant 0 : index
    %get3A_0 = arith.constant 0 : index
    %get3A_1 = vector.load %arg1[%get3A, %get3A_0] : memref<4096x768xf32, #tpu.memory_space<vmem>>, vector<4096x768xf32>
    %get3A_2 = arith.constant 0 : index
    %get3A_3 = arith.constant 0 : index
    %get3A_4 = vector.load %arg2[%get3A_2, %get3A_3] : memref<768x96xf32, #tpu.memory_space<vmem>>, vector<768x96xf32>
    %dot_general3A = arith.constant dense<0.000000e+00> : vector<4096x96xf32>
    %dot_general3A_5 = tpu.matmul %get3A_1, %get3A_4, %dot_general3A {dimension_numbers = #tpu.dot_dimension_numbers<[1], [0], [0], [1], [0, 0, 1, 1], [], []>, transpose_lhs_hint = false} : vector<4096x768xf32>, vector<768x96xf32>, vector<4096x96xf32> -> vector<4096x96xf32>
    %get3A_6 = arith.constant 0 : index
    %get3A_7 = arith.constant 0 : index
    %get3A_8 = vector.load %arg3[%get3A_6, %get3A_7] : memref<8x96xf32, #tpu.memory_space<vmem>>, vector<1x96xf32>
    %add3A = vector.broadcast %get3A_8 : vector<1x96xf32> to vector<4096x96xf32>
    %add3A_9 = arith.addf %dot_general3A_5, %add3A : vector<4096x96xf32>
    %slice3A = vector.extract_strided_slice %add3A_9 {offsets = [0, 0], sizes = [4096, 48], strides = [1, 1]} : vector<4096x96xf32> to vector<4096x48xf32>
    %slice3A_10 = vector.extract_strided_slice %add3A_9 {offsets = [0, 48], sizes = [4096, 48], strides = [1, 1]} : vector<4096x96xf32> to vector<4096x48xf32>
    %exp3A = math.exp %slice3A_10 : vector<4096x48xf32>
    %get3A_11 = arith.constant 0 : index
    %get3A_12 = arith.constant 0 : index
    %get3A_13 = vector.load %arg4[%get3A_11, %get3A_12] : memref<48x48xf32, #tpu.memory_space<vmem>>, vector<48x48xf32>
    %dot_general3A_14 = arith.constant dense<0.000000e+00> : vector<4096x48xf32>
    %dot_general3A_15 = tpu.matmul %exp3A, %get3A_13, %dot_general3A_14 {dimension_numbers = #tpu.dot_dimension_numbers<[1], [0], [0], [1], [0, 0, 1, 1], [], []>, transpose_lhs_hint = false} : vector<4096x48xf32>, vector<48x48xf32>, vector<4096x48xf32> -> vector<4096x48xf32>
    %div3A = arith.divf %exp3A, %dot_general3A_15 : vector<4096x48xf32>
    %convert_element_type3A = arith.fptosi %slice3A : vector<4096x48xf32> to vector<4096x48xi32>
    %convert_element_type3A_16 = arith.sitofp %convert_element_type3A : vector<4096x48xi32> to vector<4096x48xf32>
    %div3A_17 = arith.constant 7.680000e+02 : f32
    %div3A_18 = vector.broadcast %div3A_17 : f32 to vector<4096x48xf32>
    %div3A_19 = arith.divf %convert_element_type3A_16, %div3A_18 : vector<4096x48xf32>
    %floor3A = math.floor %div3A_19 : vector<4096x48xf32>
    %mul3A = arith.constant 7.680000e+02 : f32
    %mul3A_20 = vector.broadcast %mul3A : f32 to vector<4096x48xf32>
    %mul3A_21 = arith.mulf %mul3A_20, %floor3A : vector<4096x48xf32>
    %sub3A = arith.subf %convert_element_type3A_16, %mul3A_21 : vector<4096x48xf32>
    %jit3A = arith.constant 2 : i32
    %div3A_22 = arith.divsi %arg0, %jit3A : i32
    %sign3A = arith.constant 0 : i32
    %sign3A_23 = arith.cmpi sgt, %arg0, %sign3A : i32
    %sign3A_24 = arith.extui %sign3A_23 : i1 to i32
    %sign3A_25 = arith.constant 0 : i32
    %sign3A_26 = arith.cmpi slt, %arg0, %sign3A_25 : i32
    %sign3A_27 = arith.extui %sign3A_26 : i1 to i32
    %sign3A_28 = arith.subi %sign3A_24, %sign3A_27 : i32
    %sign3A_29 = arith.constant 0 : i32
    %sign3A_30 = arith.cmpi sgt, %jit3A, %sign3A_29 : i32
    %sign3A_31 = arith.extui %sign3A_30 : i1 to i32
    %sign3A_32 = arith.constant 0 : i32
    %sign3A_33 = arith.cmpi slt, %jit3A, %sign3A_32 : i32
    %sign3A_34 = arith.extui %sign3A_33 : i1 to i32
    %sign3A_35 = arith.subi %sign3A_31, %sign3A_34 : i32
    %ne3A = arith.cmpi ne, %sign3A_28, %sign3A_35 : i32
    %rem3A = arith.remsi %arg0, %jit3A : i32
    %ne3A_36 = arith.constant 0 : i32
    %ne3A_37 = arith.cmpi ne, %rem3A, %ne3A_36 : i32
    %and3A = arith.andi %ne3A, %ne3A_37 : i1
    %sub3A_38 = arith.constant 1 : i32
    %sub3A_39 = arith.subi %div3A_22, %sub3A_38 : i32
    %select_n3A = arith.select %and3A, %sub3A_39, %div3A_22 : i32
    %mul3A_40 = arith.constant 768 : i32
    %mul3A_41 = arith.muli %select_n3A, %mul3A_40 : i32
    %convert_element_type3A_42 = arith.sitofp %mul3A_41 : i32 to f32
    %add3A_43 = vector.broadcast %convert_element_type3A_42 : f32 to vector<4096x48xf32>
    %add3A_44 = arith.addf %sub3A, %add3A_43 : vector<4096x48xf32>
    %convert_element_type3A_45 = arith.fptosi %add3A_44 : vector<4096x48xf32> to vector<4096x48xi32>
    %convert_element_type3A_46 = arith.truncf %div3A : vector<4096x48xf32> to vector<4096x48xbf16>
    %bitcast_convert_type3A = tpu.bitcast %convert_element_type3A_46 : vector<4096x48xbf16> -> vector<4096x48xi16>
    %convert_element_type3A_47 = arith.extui %bitcast_convert_type3A : vector<4096x48xi16> to vector<4096x48xi32>
    %shift_left3A = arith.constant 16 : i32
    %shift_left3A_48 = vector.broadcast %shift_left3A : i32 to vector<4096x48xi32>
    %shift_left3A_49 = arith.shli %convert_element_type3A_45, %shift_left3A_48 : vector<4096x48xi32>
    %or3A = arith.ori %shift_left3A_49, %convert_element_type3A_47 : vector<4096x48xi32>
    %bitcast_convert_type3A_50 = tpu.bitcast %or3A : vector<4096x48xi32> -> vector<4096x48xf32>
    %transpose3A = tpu.transpose %bitcast_convert_type3A_50, [1, 0] : vector<4096x48xf32> -> vector<48x4096xf32>
    %bitcast_convert_type3A_51 = tpu.bitcast %transpose3A : vector<48x4096xf32> -> vector<48x4096xi32>
    %swap3A = arith.constant 0 : index
    %swap3A_52 = arith.constant 0 : index
    %swap3A_53 = vector.load %arg5[%swap3A, %swap3A_52] : memref<48x4096xi32, #tpu.memory_space<vmem>>, vector<48x4096xi32>
    tpu.vector_store %arg5[%swap3A, %swap3A_52], %bitcast_convert_type3A_51 {strides = array<i32>} : memref<48x4096xi32, #tpu.memory_space<vmem>>, vector<48x4096xi32>,
    %jit3A_54 = arith.constant 2 : i32
    %eq3A = arith.constant 0 : i32
    %eq3A_55 = arith.cmpi eq, %jit3A_54, %eq3A : i32
    %jit3A_56 = arith.constant 1 : i32
    %select_n3A_57 = arith.select %eq3A_55, %jit3A_56, %jit3A_54 : i32
    %rem3A_58 = arith.remsi %arg0, %select_n3A_57 : i32
    %ne3A_59 = arith.constant 0 : i32
    %ne3A_60 = arith.cmpi ne, %rem3A_58, %ne3A_59 : i32
    %lt3A = arith.constant 0 : i32
    %lt3A_61 = arith.cmpi slt, %rem3A_58, %lt3A : i32
    %lt3A_62 = arith.constant 0 : i32
    %lt3A_63 = arith.cmpi slt, %select_n3A_57, %lt3A_62 : i32
    %ne3A_64 = arith.xori %lt3A_61, %lt3A_63 : i1
    %and3A_65 = arith.andi %ne3A_64, %ne3A_60 : i1
    %add3A_66 = arith.addi %rem3A_58, %select_n3A_57 : i32
    %select_n3A_67 = arith.select %and3A_65, %add3A_66, %rem3A_58 : i32
    %eq3A_68 = arith.constant 0 : i32
    %eq3A_69 = arith.cmpi eq, %select_n3A_67, %eq3A_68 : i32
    %convert_element_type3A_70 = arith.extui %eq3A_69 : i1 to i32
    %cond3A = arith.constant 0 : i32
    %cond3A_71 = arith.cmpi ne, %convert_element_type3A_70, %cond3A : i32
    scf.if %cond3A_71 {
      %slice3A_72 = vector.extract_strided_slice %get3A_1 {offsets = [0, 0], sizes = [1, 768], strides = [1, 1]} : vector<4096x768xf32> to vector<1x768xf32>
      %jit3A_73 = arith.constant 2 : i32
      %div3A_74 = arith.divsi %arg0, %jit3A_73 : i32
      %sign3A_75 = arith.constant 0 : i32
      %sign3A_76 = arith.cmpi sgt, %arg0, %sign3A_75 : i32
      %sign3A_77 = arith.extui %sign3A_76 : i1 to i32
      %sign3A_78 = arith.constant 0 : i32
      %sign3A_79 = arith.cmpi slt, %arg0, %sign3A_78 : i32
      %sign3A_80 = arith.extui %sign3A_79 : i1 to i32
      %sign3A_81 = arith.subi %sign3A_77, %sign3A_80 : i32
      %sign3A_82 = arith.constant 0 : i32
      %sign3A_83 = arith.cmpi sgt, %jit3A_73, %sign3A_82 : i32
      %sign3A_84 = arith.extui %sign3A_83 : i1 to i32
      %sign3A_85 = arith.constant 0 : i32
      %sign3A_86 = arith.cmpi slt, %jit3A_73, %sign3A_85 : i32
      %sign3A_87 = arith.extui %sign3A_86 : i1 to i32
      %sign3A_88 = arith.subi %sign3A_84, %sign3A_87 : i32
      %ne3A_89 = arith.cmpi ne, %sign3A_81, %sign3A_88 : i32
      %rem3A_90 = arith.remsi %arg0, %jit3A_73 : i32
      %ne3A_91 = arith.constant 0 : i32
      %ne3A_92 = arith.cmpi ne, %rem3A_90, %ne3A_91 : i32
      %and3A_93 = arith.andi %ne3A_89, %ne3A_92 : i1
      %sub3A_94 = arith.constant 1 : i32
      %sub3A_95 = arith.subi %div3A_74, %sub3A_94 : i32
      %select_n3A_96 = arith.select %and3A_93, %sub3A_95, %div3A_74 : i32
      %swap3A_97 = arith.index_cast %select_n3A_96 : i32 to index
      %swap3A_98 = arith.constant 0 : index
      %swap3A_99 = vector.load %arg6[%swap3A_97, %swap3A_98] : memref<4x768xf32, #tpu.memory_space<vmem>>, vector<1x768xf32>
      tpu.vector_store %arg6[%swap3A_97, %swap3A_98], %slice3A_72 {strides = array<i32>} : memref<4x768xf32, #tpu.memory_space<vmem>>, vector<1x768xf32>,
    } else {
    }
    return
  }
  func.func @transform_0(%arg0: i32) -> (i32, i32) {
    %c0_i32 = arith.constant 0 : i32
    %c0_i32_0 = arith.constant 0 : i32
    return %arg0, %c0_i32 : i32, i32
  }
  func.func @transform_1(%arg0: i32) -> (i32, i32) {
    %c0_i32 = arith.constant 0 : i32
    %c0_i32_0 = arith.constant 0 : i32
    %c0_i32_1 = arith.constant 0 : i32
    return %c0_i32, %c0_i32_0 : i32, i32
  }
  func.func @transform_2(%arg0: i32) -> (i32, i32) {
    %c0_i32 = arith.constant 0 : i32
    %c0_i32_0 = arith.constant 0 : i32
    %c0_i32_1 = arith.constant 0 : i32
    return %c0_i32, %c0_i32_0 : i32, i32
  }
  func.func @transform_3(%arg0: i32) -> (i32, i32) {
    %c0_i32 = arith.constant 0 : i32
    %c0_i32_0 = arith.constant 0 : i32
    %c0_i32_1 = arith.constant 0 : i32
    return %c0_i32, %c0_i32_0 : i32, i32
  }
  func.func @transform_4(%arg0: i32) -> (i32, i32) {
    %c0_i32 = arith.constant 0 : i32
    %c0_i32_0 = arith.constant 0 : i32
    return %c0_i32, %arg0 : i32, i32
  }
  func.func @transform_5(%arg0: i32) -> (i32, i32) {
    %c0_i32 = arith.constant 0 : i32
    %c0_i32_0 = arith.constant 0 : i32
    %c0_i32_1 = arith.constant 0 : i32
    return %c0_i32, %c0_i32_0 : i32, i32
  }
}

module attributes {stable_mosaic.version = 14 : i64} {
  func.func @_stage3_body(%arg0: i32, %arg1: memref<1x1x2048xf32, #tpu.memory_space<vmem>>, %arg2: memref<768x768xf32, #tpu.memory_space<vmem>>, %arg3: memref<8x768xf32, #tpu.memory_space<vmem>>, %arg4: memref<2048x768xf32, #tpu.memory_space<vmem>>, %arg5: memref<8x768xf32, #tpu.memory_space<vmem>>) attributes {dimension_semantics = [#tpu.dimension_semantics<arbitrary>], iteration_bounds = array<i64: 16>, scalar_prefetch = 0 : i64, scratch_operands = 1 : i64, tpu.core_type = #tpu.core_type<tc>, window_params = [{transform_indices = @transform_0, window_bounds = array<i64: 1, 1, 2048>}, {pipeline_mode = #tpu.pipeline_mode<synchronous>, transform_indices = @transform_1, window_bounds = array<i64: 768, 768>}, {pipeline_mode = #tpu.pipeline_mode<synchronous>, transform_indices = @transform_2, window_bounds = array<i64: 8, 768>}, {transform_indices = @transform_3, window_bounds = array<i64: 2048, 768>}]} {
    %eq3A = arith.constant 0 : i32
    %eq3A_0 = arith.cmpi eq, %arg0, %eq3A : i32
    %convert_element_type3A = arith.extui %eq3A_0 : i1 to i32
    %cond3A = arith.constant 0 : i32
    %cond3A_1 = arith.cmpi ne, %convert_element_type3A, %cond3A : i32
    scf.if %cond3A_1 {
      %get3A_17 = arith.constant 0 : index
      %get3A_18 = arith.constant 0 : index
      %get3A_19 = vector.load %arg2[%get3A_17, %get3A_18] : memref<768x768xf32, #tpu.memory_space<vmem>>, vector<768x768xf32>
      %reduce_sum3A = arith.constant dense<0.000000e+00> : vector<768xf32>
      %reduce_sum3A_20 = vector.multi_reduction <add>, %get3A_19, %reduce_sum3A [1] : vector<768x768xf32> to vector<768xf32>
      %broadcast_in_dim3A_21 = vector.shape_cast %reduce_sum3A_20 : vector<768xf32> to vector<1x768xf32>
      %broadcast_in_dim3A_22 = vector.shape_cast %broadcast_in_dim3A_21 : vector<1x768xf32> to vector<1x768xf32>
      %broadcast_in_dim3A_23 = vector.broadcast %broadcast_in_dim3A_22 : vector<1x768xf32> to vector<8x768xf32>
      %swap3A_24 = arith.constant 0 : index
      %swap3A_25 = arith.constant 0 : index
      %swap3A_26 = vector.load %arg5[%swap3A_24, %swap3A_25] : memref<8x768xf32, #tpu.memory_space<vmem>>, vector<8x768xf32>
      tpu.vector_store %arg5[%swap3A_24, %swap3A_25], %broadcast_in_dim3A_23 {strides = array<i32>} : memref<8x768xf32, #tpu.memory_space<vmem>>, vector<8x768xf32>,
    } else {
    }
    %get3A = arith.constant 0 : index
    %get3A_2 = arith.constant 0 : index
    %get3A_3 = arith.constant 0 : index
    %get3A_4 = vector.load %arg1[%get3A, %get3A_2, %get3A_3] : memref<1x1x2048xf32, #tpu.memory_space<vmem>>, vector<1x1x2048xf32>
    %get3A_5 = vector.shape_cast %get3A_4 : vector<1x1x2048xf32> to vector<2048xf32>
    %broadcast_in_dim3A = vector.shape_cast %get3A_5 : vector<2048xf32> to vector<2048x1xf32>
    %get3A_6 = arith.constant 0 : index
    %get3A_7 = arith.constant 0 : index
    %get3A_8 = vector.load %arg5[%get3A_6, %get3A_7] : memref<8x768xf32, #tpu.memory_space<vmem>>, vector<1x768xf32>
    %mul3A = vector.broadcast %broadcast_in_dim3A : vector<2048x1xf32> to vector<2048x768xf32>
    %mul3A_9 = vector.broadcast %get3A_8 : vector<1x768xf32> to vector<2048x768xf32>
    %mul3A_10 = arith.mulf %mul3A, %mul3A_9 : vector<2048x768xf32>
    %get3A_11 = arith.constant 0 : index
    %get3A_12 = arith.constant 0 : index
    %get3A_13 = vector.load %arg3[%get3A_11, %get3A_12] : memref<8x768xf32, #tpu.memory_space<vmem>>, vector<1x768xf32>
    %add3A = vector.broadcast %get3A_13 : vector<1x768xf32> to vector<2048x768xf32>
    %add3A_14 = arith.addf %mul3A_10, %add3A : vector<2048x768xf32>
    %swap3A = arith.constant 0 : index
    %swap3A_15 = arith.constant 0 : index
    %swap3A_16 = vector.load %arg4[%swap3A, %swap3A_15] : memref<2048x768xf32, #tpu.memory_space<vmem>>, vector<2048x768xf32>
    tpu.vector_store %arg4[%swap3A, %swap3A_15], %add3A_14 {strides = array<i32>} : memref<2048x768xf32, #tpu.memory_space<vmem>>, vector<2048x768xf32>,
    return
  }
  func.func @transform_0(%arg0: i32) -> (i32, i32, i32) {
    %c0_i32 = arith.constant 0 : i32
    %c0_i32_0 = arith.constant 0 : i32
    %c0_i32_1 = arith.constant 0 : i32
    return %arg0, %c0_i32, %c0_i32_0 : i32, i32, i32
  }
  func.func @transform_1(%arg0: i32) -> (i32, i32) {
    %c0_i32 = arith.constant 0 : i32
    %c0_i32_0 = arith.constant 0 : i32
    %c0_i32_1 = arith.constant 0 : i32
    return %c0_i32, %c0_i32_0 : i32, i32
  }
  func.func @transform_2(%arg0: i32) -> (i32, i32) {
    %c0_i32 = arith.constant 0 : i32
    %c0_i32_0 = arith.constant 0 : i32
    %c0_i32_1 = arith.constant 0 : i32
    return %c0_i32, %c0_i32_0 : i32, i32
  }
  func.func @transform_3(%arg0: i32) -> (i32, i32) {
    %c0_i32 = arith.constant 0 : i32
    %c0_i32_0 = arith.constant 0 : i32
    return %arg0, %c0_i32 : i32, i32
  }
}

</mosaic_0001>

<sc_bundles>
// kernel: kernel.5.cloned.1.call-start
scs
__scs_entry_jumppad:
0x0: {  	(pc) =	sbr.rel $0x88, $3  }
0x1: {  	(tag) =	ssettag $0x0;
	lr =	simm.s32 $0x1  }
0x2: {  	[smem:$0x3F9A] =	sst lr;
	_ =	strace $0xD0000000  }
0x3: {  	_ = 	snop  }
0x4: {  	_ = 	snop  }
0x5: {  	_ = 	snop  }
0x6: {  	_ = 	snop  }
0x7: {  	_ = 	snop  }
__scs_overlays_trampoline_lowered:
0x8: {  	[smem:$0x3FA9] =	sst s0  }
0x9: {  	[smem:$0x3FAA] =	sst s1  }
0xa: {  	[smem:$0x3FAB] =	sst s2  }
0xb: {  	[smem:$0x3FAC] =	sst s3  }
0xc: {  	[smem:$0x3FAD] =	sst s4  }
0xd: {  	[smem:$0x3FAE] =	sst s5  }
0xe: {  	[smem:$0x3FAF] =	sst s6  }
0xf: {  	[smem:$0x3FB0] =	sst s7  }
0x10: {  	[smem:$0x3FB1] =	sst s8  }
0x11: {  	[smem:$0x3FB2] =	sst s9;
	s0 =	simm.s32 @!p0 $0x0  }
0x12: {  	s1 =	sld [smem:$0x3F98];
	s0 =	simm.s32 @p0 $0x1  }
0x13: {  	[smem:$0x3FB3] =	sst s0;
	s0 =	simm.s32 @!p1 $0x0  }
0x14: {  	s2 =	sld [smem:$0x3F97];
	s0 =	simm.s32 @p1 $0x1  }
0x15: {  	[smem:$0x3FB4] =	sst s0;
	s0 =	simm.s32 @!p2 $0x0  }
0x16: {  	s3 =	sld [smem:$0x3FDB];
	s0 =	simm.s32 @p2 $0x1  }
0x17: {  	s4 =	simm.s32 $0x1BF5;
	[smem:$0x3FB6] =	sst s0  }
0x18: {  	s0 =	sld [smem:$0x3F99];
	_ =	swait.ge [sflag:s4], $0x0  }
0x19: {  	s7 =	sld [smem:$0x3F9A]  }
0x1a: {  	s8 =	sadd.s32 $0xFFFFE003, lr  }
0x1b: {  	s9 =	sadd.s32 $0xFFFFFEF7, lr;
	s5 =	simm.s32 $0xFFFFFFFF;
	p2 =	slt.u32 s8, $0xFFFFF086  }
0x1c: {  	p1 =	slt.u32 s9, $0xF7A;
	s5 =	simm.s32 @!p2 $0x0  }
0x1d: {  	s5 =	simm.s32 @p1 $0x1;
	p0 =	seq.s32 s7, s2  }
0x1e: {  	s7 =	smul.u32 @!p0 $0xF7A, s2;
	p2 =	seq.s32 @!p0 s5, $0x0  }
0x1f: {  	s9 =	smul.u32 $0xF7A, s1;
	s8 =	simm.s32 @!p0 $0x1BF5;
	p2 =	por !p2, p0  }
0x20: {  	[sflag:s8] =	ssyncset.s32 @!p0 $0xFFFFF086;
	s6 =	sadd.s32 @!p0 s3, s7;
	s7 =	simm.s32 @!p0 $0x108  }
0x21: {  	s3 =	sadd.s32 s3, s9;
	s6 =	sadd.s32 @!p0 $0x88, s6;
	s7 =	simm.s32 @p2 $0x1082  }
0x22: {  	[simem:s7], [sflag:s8] =	dma.local @!p0 [hbm:s6], $0xF7A  }
0x23: {  	s9 =	sor.u32 $0xD0000000, s2;
	s6 =	simm.s32 $0x108;
	_ =	swait.ge @!p0 [sflag:s8], $0x0  }
0x24: {  	s3 =	sadd.s32 $0x88, s3;
	s6 =	simm.s32 @!p1 $0x1082;
	[sflag:s4] =	ssyncset.s32 $0xFFFFF086  }
0x25: {  	[simem:s6], [sflag:s4] =	dma.local [hbm:s3], $0xF7A  }
0x26: {  	[smem:$0x3F9A] =	sst s1;
	(tag) =	ssettag s2;
	_ =	strace s9  }
0x27: {  	s1 =	sld [smem:$0x3FAA]  }
0x28: {  	s2 =	sld [smem:$0x3FAB]  }
0x29: {  	s4 =	sld [smem:$0x3FAD]  }
0x2a: {  	p0 =	seq.s32 s5, $0x0;
	s5 =	sld [smem:$0x3FAE]  }
0x2b: {  	s6 =	sld [smem:$0x3FAF]  }
0x2c: {  	s7 =	sld [smem:$0x3FB0]  }
0x2d: {  	s3 =	simm.s32 $0x108;
	s8 =	sld [smem:$0x3FB1]  }
0x2e: {  	s3 =	simm.s32 @!p0 $0x1082;
	s9 =	sld [smem:$0x3FB2]  }
0x2f: {  	lr =	sadd.s32 s0, s3;
	s0 =	sld [smem:$0x3FA9]  }
0x30: {  	s3 =	sld [smem:$0x3FAC]  }
0x31: {  	[smem:$0x3FB5] =	sst s10  }
0x32: {  	s10 =	sld [smem:$0x3FB3];
	_ =	sdelay $0x3  }
0x33: {  	p0 =	seq.s32 s10, $0x1;
	s10 =	sld [smem:$0x3FB5];
	_ =	sdelay $0x3  }
0x34: {  	[smem:$0x3FB5] =	sst s10  }
0x35: {  	s10 =	sld [smem:$0x3FB4];
	_ =	sdelay $0x3  }
0x36: {  	p1 =	seq.s32 s10, $0x1;
	s10 =	sld [smem:$0x3FB5];
	_ =	sdelay $0x3  }
0x37: {  	[smem:$0x3FB5] =	sst s10  }
0x38: {  	s10 =	sld [smem:$0x3FB6]  }
0x39: {  	_ = 	snop;
	(pc) =	sbr.ind lr, $3  }
0x3a: {  	_ = 	snop  }
0x3b: {  	_ = 	snop  }
0x3c: {  	p2 =	seq.s32 s10, $0x1;
	s10 =	sld [smem:$0x3FB5]  }
0x3d: {  	_ =	shalt  }
0x3e: {  	_ =	shalt  }
0x3f: {  	_ =	shalt  }
0x40: {  	_ =	shalt  }
0x41: {  	_ =	shalt  }
0x42: {  	_ =	shalt  }
0x43: {  	_ =	shalt  }
0x44: {  	_ =	shalt  }
0x45: {  	_ =	shalt  }
0x46: {  	_ =	shalt  }
0x47: {  	_ =	shalt  }
0x48: {  	_ =	shalt  }
0x49: {  	_ =	shalt  }
0x4a: {  	_ =	shalt  }
0x4b: {  	_ =	shalt  }
0x4c: {  	_ =	shalt  }
0x4d: {  	_ =	shalt  }
0x4e: {  	_ =	shalt  }
0x4f: {  	_ =	shalt  }
0x50: {  	_ =	shalt  }
0x51: {  	_ =	shalt  }
0x52: {  	_ =	shalt  }
0x53: {  	_ =	shalt  }
0x54: {  	_ =	shalt  }
0x55: {  	_ =	shalt  }
0x56: {  	_ =	shalt  }
0x57: {  	_ =	shalt  }
0x58: {  	_ =	shalt  }
0x59: {  	_ =	shalt  }
0x5a: {  	_ =	shalt  }
0x5b: {  	_ =	shalt  }
0x5c: {  	_ =	shalt  }
0x5d: {  	_ =	shalt  }
0x5e: {  	_ =	shalt  }
0x5f: {  	_ =	shalt  }
0x60: {  	_ =	shalt  }
0x61: {  	_ =	shalt  }
0x62: {  	_ =	shalt  }
0x63: {  	_ =	shalt  }
0x64: {  	_ =	shalt  }
0x65: {  	_ =	shalt  }
0x66: {  	_ =	shalt  }
0x67: {  	_ =	shalt  }
0x68: {  	_ =	shalt  }
0x69: {  	_ =	shalt  }
0x6a: {  	_ =	shalt  }
0x6b: {  	_ =	shalt  }
0x6c: {  	_ =	shalt  }
0x6d: {  	_ =	shalt  }
0x6e: {  	_ =	shalt  }
0x6f: {  	_ =	shalt  }
0x70: {  	_ =	shalt  }
0x71: {  	_ =	shalt  }
0x72: {  	_ =	shalt  }
0x73: {  	_ =	shalt  }
0x74: {  	_ =	shalt  }
0x75: {  	_ =	shalt  }
0x76: {  	_ =	shalt  }
0x77: {  	_ =	shalt  }
0x78: {  	_ =	shalt  }
0x79: {  	_ =	shalt  }
0x7a: {  	_ =	shalt  }
0x7b: {  	_ =	shalt  }
0x7c: {  	_ =	shalt  }
0x7d: {  	_ =	shalt  }
0x7e: {  	_ =	shalt  }
0x7f: {  	_ =	shalt  }
0x80: {  	_ =	shalt  }
0x81: {  	_ =	shalt  }
0x82: {  	_ =	shalt  }
0x83: {  	_ =	shalt  }
0x84: {  	_ =	shalt  }
0x85: {  	_ =	shalt  }
0x86: {  	_ =	shalt  }
0x87: {  	_ =	shalt  }
.Lfunc_end0:
.L_simem_size_0:
called_computation_lowered:
.L_overlay_start_0:
0x88: {  	s2 =	sld [smem:$0x3FD9]  }
0x89: {  	s3 =	sld [smem:$0x3FFE];
	_ =	sdelay $0x1  }
0x8a: {  	s1 =	srdreg.scid  }
0x8b: {  	s0 =	sand.u32 $0x1, s1  }
0x8c: {  	s17 =	sshll.u32 s0, $0xA;
	s2 =	sadd.s32 s3, s2  }
0x8d: {  	s2 =	sadd.s32 s2, s17  }
0x8e: {  	[smem:$0x3FC1] =	sst s2  }
0x8f: {  	_ = 	snop  }
0x90: {  	s2 =	sld [smem:$0x3FD0];
	(tm) =	ssettm $0x1  }
0x91: {  	s18 =	sld [smem:$0x3FFB];
	_ =	sdelay $0x3  }
0x92: {  	_ =	strace s18  }
0x93: {  	s3 =	sld [smem:$0x3FFC];
	_ =	sdelay $0x3  }
0x94: {  	_ =	strace s3  }
0x95: {  	s3 =	sld [smem:$0x3FFD];
	_ =	sdelay $0x3  }
0x96: {  	_ =	strace s3  }
0x97: {  	_ =	strace $0x8FFFFFFF  }
0x98: {  	s19 =	sld [smem:$0x3FDB];
	_ =	sdelay $0x1  }
0x99: {  	s4 =	simm.s32 $_scs_section_size  }
0x9a: {  	s5 =	simm.s32 $_size__tile_overlayer_lowered;
	s6 =	simm.s32 $_tile_overlayer_lowered  }
0x9b: {  	s22 =	simm.s32 $0x1BFF;
	s21 =	sshll.u32 s6, $0x1;
	s3 =	sadd.s32 s4, s19  }
0x9c: {  	s7 =	simm.s32 $0x0;
	s20 =	sshll.u32 s5, $0x1;
	s5 =	sadd.s32 s21, s3  }
0x9d: {  	[timem:s7], [sflag:s22] =	dma.local [hbm:s5], s20  }
0x9e: {  	_ =	swait.ge [sflag:s22], s20  }
0x9f: {  	s4 =	ssub.s32 $0x0, s20;
	[sflag:s22] =	ssyncset.done $0x0  }
0xa0: {  	[sflag:s22] =	ssyncadd.s32 s4;
	_ =	sdelay $0x1  }
0xa1: {  	s23 =	simm.s32 $0x1B8B  }
0xa2: {  	_ =	swait.ge [sflag:s23], $0x1  }
0xa3: {  	[sflag:s23] =	ssyncset.done $0x0  }
0xa4: {  	s25 =	simm.s32 $0x1B8E;
	s24 =	sld [smem:$0x3FFE];
	[sflag:s23] =	ssyncadd.s32 $0xFFFFFFFF  }
0xa5: {  	s26 =	simm.s32 $execute0_lowered;
	[smem:$0x3FD2] =	sst s25  }
0xa6: {  	s5 =	sshll.u32 s26, $0x1;
	_ =	strace $0x80000046;
	[dreg:$0x1] =	wrdreg $0xFFFFFFFF  }
0xa7: {  	s28 =	simm.s32 $_size_execute0_lowered;
	s3 =	sadd.s32 s3, s5;
	[dreg:$0x0] =	wrdreg $0x0  }
0xa8: {  	s5 =	sshll.u32 s28, $0x1;
	[dreg:$0x2] =	wrdreg s3  }
0xa9: {  	[dreg:$0x3] =	wrdreg s5  }
0xaa: {  	[dreg:$0x4] =	wrdreg $0xC0  }
0xab: {  	_ =	task [dreg:s7], $0x5FFFF  }
0xac: {  	[dreg:$0x1] =	wrdreg $0xFFFFFFFF  }
0xad: {  	[dreg:$0x0] =	wrdreg $0x60  }
0xae: {  	[dreg:$0x2] =	wrdreg s2  }
0xaf: {  	[dreg:$0x3] =	wrdreg s24  }
0xb0: {  	[dreg:$0x4] =	wrdreg $0x9  }
0xb1: {  	_ =	task.clear_ibuf [dreg:s7], $0x5FFFF;
	_ =	strace $0x90000046  }
0xb2: {  	s29 =	simm.s32 $0x9;
	_ =	strace $0x80000048  }
0xb3: {  	_ =	swait.ge [sflag:s29], $0x1  }
0xb4: {  	[sflag:s29] =	ssyncadd.s32 $0xFFFFFFFF  }
0xb5: {  	_ =	strace $0x90000048  }
0xb6: {  	_ =	sfence  }
0xb7: {  	s30 =	sld [smem:$0x0];
	_ =	sdelay $0x2  }
0xb8: {  	s31 =	sshll.u32 s1, $0xD;
	s1 =	sshrl.u32 s1, $0x2  }
0xb9: {  	s3 =	sand.u32 $0x4000, s31;
	s1 =	sadd.s32 s1, s30  }
0xba: {  	s0 =	sor.u32 s3, s0;
	s1 =	sshll.u32 s1, $0x11  }
0xbb: {  	s0 =	sor.u32 s1, s0  }
0xbc: {  	s0 =	sadd.s32 $0x8F2B, s0  }
0xbd: {  	[sflag:s0] =	ssyncadd.remote.s32 $0x1  }
0xbe: {  	_ =	sfence.sel $0xFFFF  }
0xbf: {  	[dreg:$0x0] =	wrdreg $0xFFFFFFFF;
	(pc) =	sbr.abs _section_cstart, $3  }
0xc0: {  	[dreg:$0x1] =	wrdreg $0xFFFFFFFF  }
0xc1: {  	_ =	task.clear_ibuf [dreg:s7], $0x2FFFF;
	_ =	strace $0x9FFFFFFF  }
0xc2: {  	(tm) =	ssettm $0x7FFFFFFF  }
0xc3: {  	_ =	shalt  }
tec
execute0_lowered:
.L_overlay_start_1:
0x0: {  	(tag) =	ssettag $0x1  }
0x1: {  	s4 =	rddreg [dreg:$0x0]  }
0x2: {  	s5 =	rddreg [dreg:$0x1];
	s2 =	srdreg.scid  }
0x3: {  	s0 =	rddreg [dreg:$0x2];
	s1 =	stileid.u32;
	s10 =	simm.s32 $0xC000  }
0x4: {  	s11 =	simm.s32 $0xCC00;
	s12 =	simm.s32 $0x0;
	s3 =	sand.u32 $0x1, s2  }
0x5: {  	s2 =	simm.s32 $0x0;
	s6 =	sshll.u32 s1, $0xB;
	s7 =	sshll.u32 s3, $0xA  }
0x6: {  	[smem:$0x7FF] =	sst s2;
	s31 =	ssub.s32 $0x2, s3;
	s3 =	sadd.s32 $0xE00, s5  }
0x7: {  	s6 =	sor.u32 s7, s6;
	_ =	strace $0x80000047;
	s9 =	sshrl.u32 s31, $0x1  }
0x8: {  	s8 =	sshrl.u32 s6, $0x3;
	s7 =	ssub.s32 s31, s9;
	s4 =	sadd.s32 s4, s6  }
0x9: {  	s9 =	simm.s32 $0x1;
	s5 =	sadd.s32 s8, s5;
	s6 =	smax.u32 s7, $0x1  }
0xa: {  	s7 =	simm.s32 $0x2000;
	s8 =	simm.s32 $0x40000;
	s5 =	sadd.s32 $0x1000, s5  }
.LBB2_1:
0xb: {  	[tilespmem:s2], [sflag:$0x1] =	stream.strided.gather [hbm4b:s4+s7], $0xC000, s8, s7, $0x38;
	[tilespmem:$0xD000] =	vst v63  }
0xc: {  	_ =	swait.ge [sflag:s9], $0xC000  }
0xd: {  	[sflag:s9] =	ssyncset.done $0x0  }
0xe: {  	[sflag:s9] =	ssyncadd.s32 $0xFFFF4000  }
0xf: {  	[tilespmem:s10], [sflag:$0x1] =	stream.linear.gather [hbm4b:s3+s2], $0xC00, $0x38;
	[tilespmem:$0xD000] =	vst v63  }
0x10: {  	_ =	swait.ge [sflag:s9], $0xC00  }
0x11: {  	s13 =	sand.u32 $0x70, s2;
	s14 =	sand.u32 $0x1C00, s2;
	[sflag:s9] =	ssyncset.done $0x0  }
0x12: {  	s13 =	sor.u32 s13, s14;
	[sflag:s9] =	ssyncadd.s32 $0xFFFFF400  }
0x13: {  	v0 =	vld [tilespmem:s13+$0x0];
	_ =	sdelay $0x1  }
0x14: {  	v1 =	vld [tilespmem:s13+$0x80];
	_ =	sdelay $0x1  }
0x15: {  	v2 =	vld [tilespmem:s13+$0x100]  }
0x16: {  	v3 =	vshra.s32 v0, $0x10  }
0x17: {  	v4 =	vld [tilespmem:s13+$0x180]  }
0x18: {  	v5 =	vshra.s32 v1, $0x10  }
0x19: {  	v6 =	vld [tilespmem:s13+$0x200]  }
0x1a: {  	v8 =	vld [tilespmem:s13+$0x280];
	v7 =	vshra.s32 v2, $0x10  }
0x1b: {  	v3 =	vld.idx.msk [tilespmem:v3+s10+$0x0], $0xffff  }
0x1c: {  	v10 =	vld [tilespmem:s13+$0x300];
	v9 =	vshra.s32 v4, $0x10  }
0x1d: {  	v5 =	vld.idx.msk [tilespmem:v5+s10+$0x0], $0xffff  }
0x1e: {  	v12 =	vld [tilespmem:s13+$0x380];
	v11 =	vshra.s32 v6, $0x10  }
0x1f: {  	v0 =	vshll.u32 v0, $0x10;
	v7 =	vld.idx.msk [tilespmem:v7+s10+$0x0], $0xffff  }
0x20: {  	v14 =	vld [tilespmem:s13+$0x2000];
	v13 =	vshra.s32 v8, $0x10;
	v0 =	vmul.f32 v0, v3  }
0x21: {  	v1 =	vshll.u32 v1, $0x10;
	v3 =	vld.idx.msk [tilespmem:v9+s10+$0x0], $0xffff  }
0x22: {  	v15 =	vld [tilespmem:s13+$0x2080];
	v61 =	vshra.s32 v10, $0x10;
	v1 =	vmul.f32 v1, v5;
	v0 =	vadd.f32 $0.0e+00, v0  }
0x23: {  	v2 =	vshll.u32 v2, $0x10;
	v62 =	vld.idx.msk [tilespmem:v11+s10+$0x0], $0xffff  }
0x24: {  	v16 =	vld [tilespmem:s13+$0x2100];
	v63 =	vshra.s32 v12, $0x10;
	v0 =	vadd.f32 v1, v0;
	v1 =	vmul.f32 v2, v7  }
0x25: {  	v4 =	vshll.u32 v4, $0x10;
	v2 =	vld.idx.msk [tilespmem:v13+s10+$0x0], $0xffff  }
0x26: {  	v20 =	vld [tilespmem:s13+$0x2180];
	v19 =	vshra.s32 v14, $0x10;
	v0 =	vadd.f32 v1, v0;
	v1 =	vmul.f32 v4, v3  }
0x27: {  	v21 =	vshll.u32 v6, $0x10;
	v3 =	vld.idx.msk [tilespmem:v61+s10+$0x0], $0xffff  }
0x28: {  	v23 =	vld [tilespmem:s13+$0x2200];
	v22 =	vshra.s32 v15, $0x10;
	v0 =	vadd.f32 v1, v0;
	v1 =	vmul.f32 v21, v62  }
0x29: {  	v25 =	vshll.u32 v8, $0x10;
	v24 =	vld.idx.msk [tilespmem:v63+s10+$0x0], $0xffff  }
0x2a: {  	v27 =	vld [tilespmem:s13+$0x2280];
	v26 =	vshra.s32 v16, $0x10;
	v0 =	vadd.f32 v1, v0;
	v1 =	vmul.f32 v25, v2  }
0x2b: {  	v28 =	vshll.u32 v10, $0x10;
	v2 =	vld.idx.msk [tilespmem:v19+s10+$0x0], $0xffff  }
0x2c: {  	v30 =	vld [tilespmem:s13+$0x2300];
	v29 =	vshra.s32 v20, $0x10;
	v0 =	vadd.f32 v1, v0;
	v1 =	vmul.f32 v28, v3  }
0x2d: {  	v31 =	vshll.u32 v12, $0x10;
	v3 =	vld.idx.msk [tilespmem:v22+s10+$0x0], $0xffff  }
0x2e: {  	v33 =	vld [tilespmem:s13+$0x2380];
	v32 =	vshra.s32 v23, $0x10;
	v0 =	vadd.f32 v1, v0;
	v1 =	vmul.f32 v31, v24  }
0x2f: {  	v35 =	vshll.u32 v14, $0x10;
	v34 =	vld.idx.msk [tilespmem:v26+s10+$0x0], $0xffff  }
0x30: {  	v37 =	vld [tilespmem:s13+$0x4000];
	v36 =	vshra.s32 v27, $0x10;
	v0 =	vadd.f32 v1, v0;
	v1 =	vmul.f32 v35, v2  }
0x31: {  	v38 =	vshll.u32 v15, $0x10;
	v2 =	vld.idx.msk [tilespmem:v29+s10+$0x0], $0xffff  }
0x32: {  	v40 =	vld [tilespmem:s13+$0x4080];
	v39 =	vshra.s32 v30, $0x10;
	v0 =	vadd.f32 v1, v0;
	v1 =	vmul.f32 v38, v3  }
0x33: {  	v41 =	vshll.u32 v16, $0x10;
	v3 =	vld.idx.msk [tilespmem:v32+s10+$0x0], $0xffff  }
0x34: {  	v43 =	vld [tilespmem:s13+$0x4100];
	v42 =	vshra.s32 v33, $0x10;
	v0 =	vadd.f32 v1, v0;
	v1 =	vmul.f32 v41, v34  }
0x35: {  	v45 =	vshll.u32 v20, $0x10;
	v44 =	vld.idx.msk [tilespmem:v36+s10+$0x0], $0xffff  }
0x36: {  	v47 =	vld [tilespmem:s13+$0x4180];
	v46 =	vshra.s32 v37, $0x10;
	v0 =	vadd.f32 v1, v0;
	v1 =	vmul.f32 v45, v2  }
0x37: {  	v48 =	vshll.u32 v23, $0x10;
	v2 =	vld.idx.msk [tilespmem:v39+s10+$0x0], $0xffff  }
0x38: {  	v50 =	vld [tilespmem:s13+$0x4200];
	v49 =	vshra.s32 v40, $0x10;
	v0 =	vadd.f32 v1, v0;
	v1 =	vmul.f32 v48, v3  }
0x39: {  	v51 =	vshll.u32 v27, $0x10;
	v3 =	vld.idx.msk [tilespmem:v42+s10+$0x0], $0xffff  }
0x3a: {  	v53 =	vld [tilespmem:s13+$0x4280];
	v52 =	vshra.s32 v43, $0x10;
	v0 =	vadd.f32 v1, v0;
	v1 =	vmul.f32 v51, v44  }
0x3b: {  	v55 =	vshll.u32 v30, $0x10;
	v54 =	vld.idx.msk [tilespmem:v46+s10+$0x0], $0xffff  }
0x3c: {  	v57 =	vld [tilespmem:s13+$0x4300];
	v56 =	vshra.s32 v47, $0x10;
	v0 =	vadd.f32 v1, v0;
	v1 =	vmul.f32 v55, v2  }
0x3d: {  	v58 =	vshll.u32 v33, $0x10;
	v2 =	vld.idx.msk [tilespmem:v49+s10+$0x0], $0xffff  }
0x3e: {  	v60 =	vld [tilespmem:s13+$0x4380];
	v59 =	vshra.s32 v50, $0x10;
	v0 =	vadd.f32 v1, v0;
	v1 =	vmul.f32 v58, v3  }
0x3f: {  	v61 =	vshll.u32 v37, $0x10;
	v3 =	vld.idx.msk [tilespmem:v52+s10+$0x0], $0xffff  }
0x40: {  	v63 =	vld [tilespmem:s13+$0x6000];
	v62 =	vshra.s32 v53, $0x10;
	v0 =	vadd.f32 v1, v0;
	v1 =	vmul.f32 v61, v54  }
0x41: {  	v20 =	vld.idx.msk [tilespmem:v56+s10+$0x0], $0xffff;
	v21 =	vshll.u32 v40, $0x10  }
0x42: {  	v23 =	vld [tilespmem:s13+$0x6080];
	v22 =	vshra.s32 v57, $0x10;
	v0 =	vadd.f32 v1, v0;
	v1 =	vmul.f32 v21, v2  }
0x43: {  	v24 =	vshll.u32 v43, $0x10;
	v2 =	vld.idx.msk [tilespmem:v59+s10+$0x0], $0xffff  }
0x44: {  	v26 =	vld [tilespmem:s13+$0x6100];
	v25 =	vshra.s32 v60, $0x10;
	v0 =	vadd.f32 v1, v0;
	v1 =	vmul.f32 v24, v3  }
0x45: {  	v27 =	vshll.u32 v47, $0x10;
	v3 =	vld.idx.msk [tilespmem:v62+s10+$0x0], $0xffff  }
0x46: {  	v28 =	vshra.s32 v63, $0x10;
	v29 =	vld [tilespmem:s13+$0x6180];
	v0 =	vadd.f32 v1, v0;
	v1 =	vmul.f32 v27, v20  }
0x47: {  	v31 =	vshll.u32 v50, $0x10;
	v30 =	vld.idx.msk [tilespmem:v22+s10+$0x0], $0xffff  }
0x48: {  	v33 =	vld [tilespmem:s13+$0x6200];
	v32 =	vshra.s32 v23, $0x10;
	v0 =	vadd.f32 v1, v0;
	v1 =	vmul.f32 v31, v2  }
0x49: {  	v34 =	vshll.u32 v53, $0x10;
	v2 =	vld.idx.msk [tilespmem:v25+s10+$0x0], $0xffff  }
0x4a: {  	v36 =	vld [tilespmem:s13+$0x6280];
	v35 =	vshra.s32 v26, $0x10;
	v0 =	vadd.f32 v1, v0;
	v1 =	vmul.f32 v34, v3  }
0x4b: {  	v37 =	vshll.u32 v57, $0x10;
	v3 =	vld.idx.msk [tilespmem:v28+s10+$0x0], $0xffff  }
0x4c: {  	v38 =	vshra.s32 v29, $0x10;
	v39 =	vld [tilespmem:s13+$0x6300];
	v0 =	vadd.f32 v1, v0;
	v1 =	vmul.f32 v37, v30  }
0x4d: {  	v41 =	vshll.u32 v60, $0x10;
	v40 =	vld.idx.msk [tilespmem:v32+s10+$0x0], $0xffff  }
0x4e: {  	v43 =	vld [tilespmem:s13+$0x6380];
	v42 =	vshra.s32 v33, $0x10;
	v0 =	vadd.f32 v1, v0;
	v1 =	vmul.f32 v41, v2  }
0x4f: {  	v44 =	vshll.u32 v63, $0x10;
	v2 =	vld.idx.msk [tilespmem:v35+s10+$0x0], $0xffff  }
0x50: {  	v46 =	vld [tilespmem:s13+$0x8000];
	v45 =	vshra.s32 v36, $0x10;
	v0 =	vadd.f32 v1, v0;
	v1 =	vmul.f32 v44, v3  }
0x51: {  	v47 =	vshll.u32 v23, $0x10;
	v3 =	vld.idx.msk [tilespmem:v38+s10+$0x0], $0xffff  }
0x52: {  	v48 =	vshra.s32 v39, $0x10;
	v49 =	vld [tilespmem:s13+$0x8080];
	v0 =	vadd.f32 v1, v0;
	v1 =	vmul.f32 v47, v40  }
0x53: {  	v51 =	vshll.u32 v26, $0x10;
	v50 =	vld.idx.msk [tilespmem:v42+s10+$0x0], $0xffff  }
0x54: {  	v53 =	vld [tilespmem:s13+$0x8100];
	v52 =	vshra.s32 v43, $0x10;
	v0 =	vadd.f32 v1, v0;
	v1 =	vmul.f32 v51, v2  }
0x55: {  	v54 =	vshll.u32 v29, $0x10;
	v2 =	vld.idx.msk [tilespmem:v45+s10+$0x0], $0xffff  }
0x56: {  	v56 =	vld [tilespmem:s13+$0x8180];
	v55 =	vshra.s32 v46, $0x10;
	v0 =	vadd.f32 v1, v0;
	v1 =	vmul.f32 v54, v3  }
0x57: {  	v57 =	vshll.u32 v33, $0x10;
	v3 =	vld.idx.msk [tilespmem:v48+s10+$0x0], $0xffff  }
0x58: {  	v58 =	vshra.s32 v49, $0x10;
	v59 =	vld [tilespmem:s13+$0x8200];
	v0 =	vadd.f32 v1, v0;
	v1 =	vmul.f32 v57, v50  }
0x59: {  	v61 =	vshll.u32 v36, $0x10;
	v60 =	vld.idx.msk [tilespmem:v52+s10+$0x0], $0xffff  }
0x5a: {  	v63 =	vld [tilespmem:s13+$0x8280];
	v62 =	vshra.s32 v53, $0x10;
	v0 =	vadd.f32 v1, v0;
	v1 =	vmul.f32 v61, v2  }
0x5b: {  	v20 =	vshll.u32 v39, $0x10;
	v2 =	vld.idx.msk [tilespmem:v55+s10+$0x0], $0xffff  }
0x5c: {  	v22 =	vld [tilespmem:s13+$0x8300];
	v21 =	vshra.s32 v56, $0x10;
	v0 =	vadd.f32 v1, v0;
	v1 =	vmul.f32 v20, v3  }
0x5d: {  	v23 =	vshll.u32 v43, $0x10;
	v3 =	vld.idx.msk [tilespmem:v58+s10+$0x0], $0xffff  }
0x5e: {  	v24 =	vshra.s32 v59, $0x10;
	v25 =	vld [tilespmem:s13+$0x8380];
	v0 =	vadd.f32 v1, v0;
	v1 =	vmul.f32 v23, v60  }
0x5f: {  	v27 =	vshll.u32 v46, $0x10;
	v26 =	vld.idx.msk [tilespmem:v62+s10+$0x0], $0xffff  }
0x60: {  	v29 =	vld [tilespmem:s13+$0xA000];
	v28 =	vshra.s32 v63, $0x10;
	v0 =	vadd.f32 v1, v0;
	v1 =	vmul.f32 v27, v2  }
0x61: {  	v30 =	vshll.u32 v49, $0x10;
	v2 =	vld.idx.msk [tilespmem:v21+s10+$0x0], $0xffff  }
0x62: {  	v32 =	vld [tilespmem:s13+$0xA080];
	v31 =	vshra.s32 v22, $0x10;
	v0 =	vadd.f32 v1, v0;
	v1 =	vmul.f32 v30, v3  }
0x63: {  	v33 =	vshll.u32 v53, $0x10;
	v3 =	vld.idx.msk [tilespmem:v24+s10+$0x0], $0xffff  }
0x64: {  	v34 =	vshra.s32 v25, $0x10;
	v35 =	vld [tilespmem:s13+$0xA100];
	v0 =	vadd.f32 v1, v0;
	v1 =	vmul.f32 v33, v26  }
0x65: {  	v37 =	vshll.u32 v56, $0x10;
	v36 =	vld.idx.msk [tilespmem:v28+s10+$0x0], $0xffff  }
0x66: {  	v39 =	vld [tilespmem:s13+$0xA180];
	v38 =	vshra.s32 v29, $0x10;
	v0 =	vadd.f32 v1, v0;
	v1 =	vmul.f32 v37, v2  }
0x67: {  	v40 =	vshll.u32 v59, $0x10;
	v2 =	vld.idx.msk [tilespmem:v31+s10+$0x0], $0xffff  }
0x68: {  	v42 =	vld [tilespmem:s13+$0xA200];
	v41 =	vshra.s32 v32, $0x10;
	v0 =	vadd.f32 v1, v0;
	v1 =	vmul.f32 v40, v3  }
0x69: {  	v43 =	vshll.u32 v63, $0x10;
	v3 =	vld.idx.msk [tilespmem:v34+s10+$0x0], $0xffff  }
0x6a: {  	v44 =	vshra.s32 v35, $0x10;
	v45 =	vld [tilespmem:s13+$0xA280];
	v0 =	vadd.f32 v1, v0;
	v1 =	vmul.f32 v43, v36  }
0x6b: {  	v47 =	vshll.u32 v22, $0x10;
	v46 =	vld.idx.msk [tilespmem:v38+s10+$0x0], $0xffff  }
0x6c: {  	v49 =	vld [tilespmem:s13+$0xA300];
	v48 =	vshra.s32 v39, $0x10;
	v0 =	vadd.f32 v1, v0;
	v1 =	vmul.f32 v47, v2  }
0x6d: {  	v50 =	vshll.u32 v25, $0x10;
	v2 =	vld.idx.msk [tilespmem:v41+s10+$0x0], $0xffff  }
0x6e: {  	v52 =	vld [tilespmem:s13+$0xA380];
	v51 =	vshra.s32 v42, $0x10;
	v0 =	vadd.f32 v1, v0;
	v1 =	vmul.f32 v50, v3  }
0x6f: {  	v53 =	vshll.u32 v29, $0x10;
	v3 =	vld.idx.msk [tilespmem:v44+s10+$0x0], $0xffff  }
0x70: {  	v54 =	vshra.s32 v45, $0x10;
	v0 =	vadd.f32 v1, v0;
	v1 =	vmul.f32 v53, v46  }
0x71: {  	v56 =	vshll.u32 v32, $0x10;
	v55 =	vld.idx.msk [tilespmem:v48+s10+$0x0], $0xffff  }
0x72: {  	v57 =	vshra.s32 v49, $0x10;
	v0 =	vadd.f32 v1, v0;
	v1 =	vmul.f32 v56, v2  }
0x73: {  	v58 =	vshll.u32 v35, $0x10;
	v2 =	vld.idx.msk [tilespmem:v51+s10+$0x0], $0xffff  }
0x74: {  	v59 =	vshra.s32 v52, $0x10;
	v0 =	vadd.f32 v1, v0;
	v1 =	vmul.f32 v58, v3  }
0x75: {  	v60 =	vshll.u32 v39, $0x10;
	v3 =	vld.idx.msk [tilespmem:v54+s10+$0x0], $0xffff  }
0x76: {  	v0 =	vadd.f32 v1, v0;
	v1 =	vmul.f32 v60, v55  }
0x77: {  	v62 =	vshll.u32 v42, $0x10;
	v61 =	vld.idx.msk [tilespmem:v57+s10+$0x0], $0xffff  }
0x78: {  	v0 =	vadd.f32 v1, v0;
	v1 =	vmul.f32 v62, v2  }
0x79: {  	v63 =	vshll.u32 v45, $0x10;
	v2 =	vld.idx.msk [tilespmem:v59+s10+$0x0], $0xffff  }
0x7a: {  	v0 =	vadd.f32 v1, v0;
	v1 =	vmul.f32 v63, v3  }
0x7b: {  	v3 =	vshll.u32 v49, $0x10  }
0x7c: {  	v0 =	vadd.f32 v1, v0;
	v1 =	vmul.f32 v3, v61  }
0x7d: {  	v3 =	vshll.u32 v52, $0x10  }
0x7e: {  	v0 =	vadd.f32 v1, v0;
	v1 =	vmul.f32 v3, v2;
	_ =	sdelay $0x1  }
0x7f: {  	s31 =	simm.s32 $0x10;
	s15 =	simm.s32 $0x20;
	s14 =	simm.s32 $0x80;
	v0 =	vadd.f32 v1, v0  }
0x80: {  	s16 =	sand.u32 $0x70, s31;
	s17 =	sand.u32 $0x1C00, s14;
	s13 =	simm.s32 $0xCC00  }
.LBB2_2:
0x81: {  	p0 =	sne.s32 s15, $0x3F0;
	s16 =	sor.u32 s16, s17;
	[tilespmem:s13+$0x0] =	vst v0  }
0x82: {  	v0 =	vld [tilespmem:s16+$0x0];
	_ =	sdelay $0x1  }
0x83: {  	v1 =	vld [tilespmem:s16+$0x80];
	_ =	sdelay $0x1  }
0x84: {  	v2 =	vld [tilespmem:s16+$0x100]  }
0x85: {  	v3 =	vshra.s32 v0, $0x10  }
0x86: {  	v4 =	vld [tilespmem:s16+$0x180]  }
0x87: {  	v5 =	vshra.s32 v1, $0x10  }
0x88: {  	v6 =	vld [tilespmem:s16+$0x200]  }
0x89: {  	v7 =	vshra.s32 v2, $0x10;
	v8 =	vld [tilespmem:s16+$0x280]  }
0x8a: {  	v3 =	vld.idx.msk [tilespmem:v3+s10+$0x0], $0xffff  }
0x8b: {  	v9 =	vshra.s32 v4, $0x10;
	v10 =	vld [tilespmem:s16+$0x300]  }
0x8c: {  	v5 =	vld.idx.msk [tilespmem:v5+s10+$0x0], $0xffff  }
0x8d: {  	v11 =	vshra.s32 v6, $0x10;
	v12 =	vld [tilespmem:s16+$0x380]  }
0x8e: {  	v7 =	vld.idx.msk [tilespmem:v7+s10+$0x0], $0xffff  }
0x8f: {  	v0 =	vshll.u32 v0, $0x10;
	v13 =	vshra.s32 v8, $0x10;
	v14 =	vld [tilespmem:s16+$0x2000]  }
0x90: {  	v0 =	vmul.f32 v0, v3;
	v3 =	vld.idx.msk [tilespmem:v9+s10+$0x0], $0xffff  }
0x91: {  	v1 =	vshll.u32 v1, $0x10;
	v9 =	vshra.s32 v10, $0x10;
	v15 =	vld [tilespmem:s16+$0x2080]  }
0x92: {  	v0 =	vadd.f32 $0.0e+00, v0;
	v1 =	vmul.f32 v1, v5;
	v5 =	vld.idx.msk [tilespmem:v11+s10+$0x0], $0xffff  }
0x93: {  	v2 =	vshll.u32 v2, $0x10;
	v11 =	vshra.s32 v12, $0x10;
	v16 =	vld [tilespmem:s16+$0x2100]  }
0x94: {  	v0 =	vadd.f32 v1, v0;
	v1 =	vmul.f32 v2, v7;
	v2 =	vld.idx.msk [tilespmem:v13+s10+$0x0], $0xffff  }
0x95: {  	v4 =	vshll.u32 v4, $0x10;
	v7 =	vshra.s32 v14, $0x10;
	v13 =	vld [tilespmem:s16+$0x2180]  }
0x96: {  	v0 =	vadd.f32 v1, v0;
	v1 =	vmul.f32 v4, v3;
	v3 =	vld.idx.msk [tilespmem:v9+s10+$0x0], $0xffff  }
0x97: {  	v4 =	vshll.u32 v6, $0x10;
	v6 =	vshra.s32 v15, $0x10;
	v9 =	vld [tilespmem:s16+$0x2200]  }
0x98: {  	v0 =	vadd.f32 v1, v0;
	v1 =	vmul.f32 v4, v5;
	v4 =	vld.idx.msk [tilespmem:v11+s10+$0x0], $0xffff  }
0x99: {  	v5 =	vshll.u32 v8, $0x10;
	v8 =	vshra.s32 v16, $0x10;
	v11 =	vld [tilespmem:s16+$0x2280]  }
0x9a: {  	v0 =	vadd.f32 v1, v0;
	v1 =	vmul.f32 v5, v2;
	v2 =	vld.idx.msk [tilespmem:v7+s10+$0x0], $0xffff  }
0x9b: {  	v5 =	vshll.u32 v10, $0x10;
	v7 =	vshra.s32 v13, $0x10;
	v10 =	vld [tilespmem:s16+$0x2300]  }
0x9c: {  	v0 =	vadd.f32 v1, v0;
	v1 =	vmul.f32 v5, v3;
	v3 =	vld.idx.msk [tilespmem:v6+s10+$0x0], $0xffff  }
0x9d: {  	v5 =	vshll.u32 v12, $0x10;
	v6 =	vshra.s32 v9, $0x10;
	v12 =	vld [tilespmem:s16+$0x2380]  }
0x9e: {  	v0 =	vadd.f32 v1, v0;
	v1 =	vmul.f32 v5, v4;
	v4 =	vld.idx.msk [tilespmem:v8+s10+$0x0], $0xffff  }
0x9f: {  	v5 =	vshll.u32 v14, $0x10;
	v8 =	vshra.s32 v11, $0x10;
	v14 =	vld [tilespmem:s16+$0x4000]  }
0xa0: {  	v0 =	vadd.f32 v1, v0;
	v1 =	vmul.f32 v5, v2;
	v2 =	vld.idx.msk [tilespmem:v7+s10+$0x0], $0xffff  }
0xa1: {  	v5 =	vshll.u32 v15, $0x10;
	v7 =	vshra.s32 v10, $0x10;
	v15 =	vld [tilespmem:s16+$0x4080]  }
0xa2: {  	v0 =	vadd.f32 v1, v0;
	v1 =	vmul.f32 v5, v3;
	v3 =	vld.idx.msk [tilespmem:v6+s10+$0x0], $0xffff  }
0xa3: {  	v5 =	vshll.u32 v16, $0x10;
	v6 =	vshra.s32 v12, $0x10;
	v16 =	vld [tilespmem:s16+$0x4100]  }
0xa4: {  	v0 =	vadd.f32 v1, v0;
	v1 =	vmul.f32 v5, v4;
	v4 =	vld.idx.msk [tilespmem:v8+s10+$0x0], $0xffff  }
0xa5: {  	v5 =	vshll.u32 v13, $0x10;
	v8 =	vshra.s32 v14, $0x10;
	v13 =	vld [tilespmem:s16+$0x4180]  }
0xa6: {  	v0 =	vadd.f32 v1, v0;
	v1 =	vmul.f32 v5, v2;
	v2 =	vld.idx.msk [tilespmem:v7+s10+$0x0], $0xffff  }
0xa7: {  	v5 =	vshll.u32 v9, $0x10;
	v7 =	vshra.s32 v15, $0x10;
	v9 =	vld [tilespmem:s16+$0x4200]  }
0xa8: {  	v0 =	vadd.f32 v1, v0;
	v1 =	vmul.f32 v5, v3;
	v3 =	vld.idx.msk [tilespmem:v6+s10+$0x0], $0xffff  }
0xa9: {  	v5 =	vshll.u32 v11, $0x10;
	v6 =	vshra.s32 v16, $0x10;
	v11 =	vld [tilespmem:s16+$0x4280]  }
0xaa: {  	v0 =	vadd.f32 v1, v0;
	v1 =	vmul.f32 v5, v4;
	v4 =	vld.idx.msk [tilespmem:v8+s10+$0x0], $0xffff  }
0xab: {  	v5 =	vshll.u32 v10, $0x10;
	v8 =	vshra.s32 v13, $0x10;
	v10 =	vld [tilespmem:s16+$0x4300]  }
0xac: {  	v0 =	vadd.f32 v1, v0;
	v1 =	vmul.f32 v5, v2;
	v2 =	vld.idx.msk [tilespmem:v7+s10+$0x0], $0xffff  }
0xad: {  	v5 =	vshll.u32 v12, $0x10;
	v7 =	vshra.s32 v9, $0x10;
	v12 =	vld [tilespmem:s16+$0x4380]  }
0xae: {  	v0 =	vadd.f32 v1, v0;
	v1 =	vmul.f32 v5, v3;
	v3 =	vld.idx.msk [tilespmem:v6+s10+$0x0], $0xffff  }
0xaf: {  	v5 =	vshll.u32 v14, $0x10;
	v6 =	vshra.s32 v11, $0x10;
	v14 =	vld [tilespmem:s16+$0x6000]  }
0xb0: {  	v0 =	vadd.f32 v1, v0;
	v1 =	vmul.f32 v5, v4;
	v4 =	vld.idx.msk [tilespmem:v8+s10+$0x0], $0xffff  }
0xb1: {  	v5 =	vshll.u32 v15, $0x10;
	v8 =	vshra.s32 v10, $0x10;
	v15 =	vld [tilespmem:s16+$0x6080]  }
0xb2: {  	v0 =	vadd.f32 v1, v0;
	v1 =	vmul.f32 v5, v2;
	v2 =	vld.idx.msk [tilespmem:v7+s10+$0x0], $0xffff  }
0xb3: {  	v5 =	vshll.u32 v16, $0x10;
	v7 =	vshra.s32 v12, $0x10;
	v16 =	vld [tilespmem:s16+$0x6100]  }
0xb4: {  	v0 =	vadd.f32 v1, v0;
	v1 =	vmul.f32 v5, v3;
	v3 =	vld.idx.msk [tilespmem:v6+s10+$0x0], $0xffff  }
0xb5: {  	v5 =	vshll.u32 v13, $0x10;
	v6 =	vshra.s32 v14, $0x10;
	v13 =	vld [tilespmem:s16+$0x6180]  }
0xb6: {  	v0 =	vadd.f32 v1, v0;
	v1 =	vmul.f32 v5, v4;
	v4 =	vld.idx.msk [tilespmem:v8+s10+$0x0], $0xffff  }
0xb7: {  	v5 =	vshll.u32 v9, $0x10;
	v8 =	vshra.s32 v15, $0x10;
	v9 =	vld [tilespmem:s16+$0x6200]  }
0xb8: {  	v0 =	vadd.f32 v1, v0;
	v1 =	vmul.f32 v5, v2;
	v2 =	vld.idx.msk [tilespmem:v7+s10+$0x0], $0xffff  }
0xb9: {  	v5 =	vshll.u32 v11, $0x10;
	v7 =	vshra.s32 v16, $0x10;
	v11 =	vld [tilespmem:s16+$0x6280]  }
0xba: {  	v0 =	vadd.f32 v1, v0;
	v1 =	vmul.f32 v5, v3;
	v3 =	vld.idx.msk [tilespmem:v6+s10+$0x0], $0xffff  }
0xbb: {  	v5 =	vshll.u32 v10, $0x10;
	v6 =	vshra.s32 v13, $0x10;
	v10 =	vld [tilespmem:s16+$0x6300]  }
0xbc: {  	v0 =	vadd.f32 v1, v0;
	v1 =	vmul.f32 v5, v4;
	v4 =	vld.idx.msk [tilespmem:v8+s10+$0x0], $0xffff  }
0xbd: {  	v5 =	vshll.u32 v12, $0x10;
	v8 =	vshra.s32 v9, $0x10;
	v12 =	vld [tilespmem:s16+$0x6380]  }
0xbe: {  	v0 =	vadd.f32 v1, v0;
	v1 =	vmul.f32 v5, v2;
	v2 =	vld.idx.msk [tilespmem:v7+s10+$0x0], $0xffff  }
0xbf: {  	v5 =	vshll.u32 v14, $0x10;
	v7 =	vshra.s32 v11, $0x10;
	v14 =	vld [tilespmem:s16+$0x8000]  }
0xc0: {  	v0 =	vadd.f32 v1, v0;
	v1 =	vmul.f32 v5, v3;
	v3 =	vld.idx.msk [tilespmem:v6+s10+$0x0], $0xffff  }
0xc1: {  	v5 =	vshll.u32 v15, $0x10;
	v6 =	vshra.s32 v10, $0x10;
	v15 =	vld [tilespmem:s16+$0x8080]  }
0xc2: {  	v0 =	vadd.f32 v1, v0;
	v1 =	vmul.f32 v5, v4;
	v4 =	vld.idx.msk [tilespmem:v8+s10+$0x0], $0xffff  }
0xc3: {  	v5 =	vshll.u32 v16, $0x10;
	v8 =	vshra.s32 v12, $0x10;
	v16 =	vld [tilespmem:s16+$0x8100]  }
0xc4: {  	v0 =	vadd.f32 v1, v0;
	v1 =	vmul.f32 v5, v2;
	v2 =	vld.idx.msk [tilespmem:v7+s10+$0x0], $0xffff  }
0xc5: {  	v5 =	vshll.u32 v13, $0x10;
	v7 =	vshra.s32 v14, $0x10;
	v13 =	vld [tilespmem:s16+$0x8180]  }
0xc6: {  	v0 =	vadd.f32 v1, v0;
	v1 =	vmul.f32 v5, v3;
	v3 =	vld.idx.msk [tilespmem:v6+s10+$0x0], $0xffff  }
0xc7: {  	v5 =	vshll.u32 v9, $0x10;
	v6 =	vshra.s32 v15, $0x10;
	v9 =	vld [tilespmem:s16+$0x8200]  }
0xc8: {  	v0 =	vadd.f32 v1, v0;
	v1 =	vmul.f32 v5, v4;
	v4 =	vld.idx.msk [tilespmem:v8+s10+$0x0], $0xffff  }
0xc9: {  	v5 =	vshll.u32 v11, $0x10;
	v8 =	vshra.s32 v16, $0x10;
	v11 =	vld [tilespmem:s16+$0x8280]  }
0xca: {  	v0 =	vadd.f32 v1, v0;
	v1 =	vmul.f32 v5, v2;
	v2 =	vld.idx.msk [tilespmem:v7+s10+$0x0], $0xffff  }
0xcb: {  	v5 =	vshll.u32 v10, $0x10;
	v7 =	vshra.s32 v13, $0x10;
	v10 =	vld [tilespmem:s16+$0x8300]  }
0xcc: {  	v0 =	vadd.f32 v1, v0;
	v1 =	vmul.f32 v5, v3;
	v3 =	vld.idx.msk [tilespmem:v6+s10+$0x0], $0xffff  }
0xcd: {  	v5 =	vshll.u32 v12, $0x10;
	v6 =	vshra.s32 v9, $0x10;
	v12 =	vld [tilespmem:s16+$0x8380]  }
0xce: {  	v0 =	vadd.f32 v1, v0;
	v1 =	vmul.f32 v5, v4;
	v4 =	vld.idx.msk [tilespmem:v8+s10+$0x0], $0xffff  }
0xcf: {  	v5 =	vshll.u32 v14, $0x10;
	v8 =	vshra.s32 v11, $0x10;
	v14 =	vld [tilespmem:s16+$0xA000]  }
0xd0: {  	v0 =	vadd.f32 v1, v0;
	v1 =	vmul.f32 v5, v2;
	v2 =	vld.idx.msk [tilespmem:v7+s10+$0x0], $0xffff  }
0xd1: {  	v5 =	vshll.u32 v15, $0x10;
	v7 =	vshra.s32 v10, $0x10;
	v15 =	vld [tilespmem:s16+$0xA080]  }
0xd2: {  	v0 =	vadd.f32 v1, v0;
	v1 =	vmul.f32 v5, v3;
	v3 =	vld.idx.msk [tilespmem:v6+s10+$0x0], $0xffff  }
0xd3: {  	v5 =	vshll.u32 v16, $0x10;
	v6 =	vshra.s32 v12, $0x10;
	v16 =	vld [tilespmem:s16+$0xA100]  }
0xd4: {  	v0 =	vadd.f32 v1, v0;
	v1 =	vmul.f32 v5, v4;
	v4 =	vld.idx.msk [tilespmem:v8+s10+$0x0], $0xffff  }
0xd5: {  	v5 =	vshll.u32 v13, $0x10;
	v8 =	vshra.s32 v14, $0x10;
	v13 =	vld [tilespmem:s16+$0xA180]  }
0xd6: {  	v0 =	vadd.f32 v1, v0;
	v1 =	vmul.f32 v5, v2;
	v2 =	vld.idx.msk [tilespmem:v7+s10+$0x0], $0xffff  }
0xd7: {  	v5 =	vshll.u32 v9, $0x10;
	v7 =	vshra.s32 v15, $0x10;
	v9 =	vld [tilespmem:s16+$0xA200]  }
0xd8: {  	v0 =	vadd.f32 v1, v0;
	v1 =	vmul.f32 v5, v3;
	v3 =	vld.idx.msk [tilespmem:v6+s10+$0x0], $0xffff  }
0xd9: {  	v5 =	vshll.u32 v11, $0x10;
	v6 =	vshra.s32 v16, $0x10;
	v11 =	vld [tilespmem:s16+$0xA280]  }
0xda: {  	v0 =	vadd.f32 v1, v0;
	v1 =	vmul.f32 v5, v4;
	v4 =	vld.idx.msk [tilespmem:v8+s10+$0x0], $0xffff  }
0xdb: {  	v5 =	vshll.u32 v10, $0x10;
	v8 =	vshra.s32 v13, $0x10;
	v10 =	vld [tilespmem:s16+$0xA300]  }
0xdc: {  	v0 =	vadd.f32 v1, v0;
	v1 =	vmul.f32 v5, v2;
	v2 =	vld.idx.msk [tilespmem:v7+s10+$0x0], $0xffff  }
0xdd: {  	v5 =	vshll.u32 v12, $0x10;
	v7 =	vshra.s32 v9, $0x10;
	v12 =	vld [tilespmem:s16+$0xA380]  }
0xde: {  	v0 =	vadd.f32 v1, v0;
	v1 =	vmul.f32 v5, v3;
	v3 =	vld.idx.msk [tilespmem:v6+s10+$0x0], $0xffff  }
0xdf: {  	v5 =	vshll.u32 v14, $0x10;
	v6 =	vshra.s32 v11, $0x10  }
0xe0: {  	v0 =	vadd.f32 v1, v0;
	v1 =	vmul.f32 v5, v4;
	v4 =	vld.idx.msk [tilespmem:v8+s10+$0x0], $0xffff  }
0xe1: {  	v5 =	vshll.u32 v15, $0x10;
	v8 =	vshra.s32 v10, $0x10  }
0xe2: {  	v0 =	vadd.f32 v1, v0;
	v1 =	vmul.f32 v5, v2;
	v2 =	vld.idx.msk [tilespmem:v7+s10+$0x0], $0xffff  }
0xe3: {  	v5 =	vshll.u32 v16, $0x10;
	v7 =	vshra.s32 v12, $0x10  }
0xe4: {  	v0 =	vadd.f32 v1, v0;
	v1 =	vmul.f32 v5, v3;
	v3 =	vld.idx.msk [tilespmem:v6+s10+$0x0], $0xffff  }
0xe5: {  	v5 =	vshll.u32 v13, $0x10  }
0xe6: {  	v0 =	vadd.f32 v1, v0;
	v1 =	vmul.f32 v5, v4;
	v4 =	vld.idx.msk [tilespmem:v8+s10+$0x0], $0xffff  }
0xe7: {  	v5 =	vshll.u32 v9, $0x10  }
0xe8: {  	v0 =	vadd.f32 v1, v0;
	v1 =	vmul.f32 v5, v2;
	v2 =	vld.idx.msk [tilespmem:v7+s10+$0x0], $0xffff  }
0xe9: {  	v5 =	vshll.u32 v11, $0x10  }
0xea: {  	v0 =	vadd.f32 v1, v0;
	v1 =	vmul.f32 v5, v3  }
0xeb: {  	v3 =	vshll.u32 v10, $0x10  }
0xec: {  	v0 =	vadd.f32 v1, v0;
	v1 =	vmul.f32 v3, v4  }
.Ltmp0:
0xed: {  	v3 =	vshll.u32 v12, $0x10;
	(pc) =	sbr.rel @p0 .LBB2_2-.Ltmp0, $3  }
0xee: {  	v0 =	vadd.f32 v1, v0;
	v1 =	vmul.f32 v3, v2;
	_ =	sdelay $0x1  }
0xef: {  	s14 =	sadd.s32 $0x80, s14;
	s13 =	sadd.s32 $0x10, s13;
	v0 =	vadd.f32 v1, v0  }
0xf0: {  	s17 =	sand.u32 $0x1C00, s14;
	s16 =	sand.u32 $0x70, s15;
	s15 =	sadd.s32 $0x10, s15  }
0xf1: {  	s14 =	sor.u32 s16, s17;
	[tilespmem:s13+$0x0] =	vst v0  }
0xf2: {  	v0 =	vld [tilespmem:s14+$0x0];
	_ =	sdelay $0x1  }
0xf3: {  	v1 =	vld [tilespmem:s14+$0x80];
	_ =	sdelay $0x1  }
0xf4: {  	v2 =	vld [tilespmem:s14+$0x100]  }
0xf5: {  	v3 =	vshra.s32 v0, $0x10  }
0xf6: {  	v4 =	vld [tilespmem:s14+$0x180]  }
0xf7: {  	v5 =	vshra.s32 v1, $0x10  }
0xf8: {  	v6 =	vld [tilespmem:s14+$0x200]  }
0xf9: {  	v8 =	vld [tilespmem:s14+$0x280];
	v7 =	vshra.s32 v2, $0x10  }
0xfa: {  	v3 =	vld.idx.msk [tilespmem:v3+s10+$0x0], $0xffff  }
0xfb: {  	v10 =	vld [tilespmem:s14+$0x300];
	v9 =	vshra.s32 v4, $0x10  }
0xfc: {  	v5 =	vld.idx.msk [tilespmem:v5+s10+$0x0], $0xffff  }
0xfd: {  	v12 =	vld [tilespmem:s14+$0x380];
	v11 =	vshra.s32 v6, $0x10  }
0xfe: {  	v0 =	vshll.u32 v0, $0x10;
	v7 =	vld.idx.msk [tilespmem:v7+s10+$0x0], $0xffff  }
0xff: {  	v14 =	vld [tilespmem:s14+$0x2000];
	v13 =	vshra.s32 v8, $0x10;
	v0 =	vmul.f32 v0, v3  }
0x100: {  	v1 =	vshll.u32 v1, $0x10;
	v29 =	vld.idx.msk [tilespmem:v9+s10+$0x0], $0xffff  }
0x101: {  	v15 =	vld [tilespmem:s14+$0x2080];
	v30 =	vshra.s32 v10, $0x10;
	v1 =	vmul.f32 v1, v5;
	v0 =	vadd.f32 $0.0e+00, v0  }
0x102: {  	v2 =	vshll.u32 v2, $0x10;
	v31 =	vld.idx.msk [tilespmem:v11+s10+$0x0], $0xffff  }
0x103: {  	v16 =	vld [tilespmem:s14+$0x2100];
	v32 =	vshra.s32 v12, $0x10;
	v33 =	vmul.f32 v2, v7;
	v0 =	vadd.f32 v1, v0  }
0x104: {  	v4 =	vshll.u32 v4, $0x10;
	v34 =	vld.idx.msk [tilespmem:v13+s10+$0x0], $0xffff  }
0x105: {  	v36 =	vld [tilespmem:s14+$0x2180];
	v35 =	vshra.s32 v14, $0x10;
	v37 =	vmul.f32 v4, v29;
	v0 =	vadd.f32 v33, v0  }
0x106: {  	v39 =	vshll.u32 v6, $0x10;
	v38 =	vld.idx.msk [tilespmem:v30+s10+$0x0], $0xffff  }
0x107: {  	v41 =	vld [tilespmem:s14+$0x2200];
	v40 =	vshra.s32 v15, $0x10;
	v42 =	vmul.f32 v39, v31;
	v0 =	vadd.f32 v37, v0  }
0x108: {  	v44 =	vshll.u32 v8, $0x10;
	v43 =	vld.idx.msk [tilespmem:v32+s10+$0x0], $0xffff  }
0x109: {  	v46 =	vld [tilespmem:s14+$0x2280];
	v45 =	vshra.s32 v16, $0x10;
	v47 =	vmul.f32 v44, v34;
	v0 =	vadd.f32 v42, v0  }
0x10a: {  	v49 =	vshll.u32 v10, $0x10;
	v48 =	vld.idx.msk [tilespmem:v35+s10+$0x0], $0xffff  }
0x10b: {  	v51 =	vld [tilespmem:s14+$0x2300];
	v50 =	vshra.s32 v36, $0x10;
	v52 =	vmul.f32 v49, v38;
	v0 =	vadd.f32 v47, v0  }
0x10c: {  	v54 =	vshll.u32 v12, $0x10;
	v53 =	vld.idx.msk [tilespmem:v40+s10+$0x0], $0xffff  }
0x10d: {  	v56 =	vld [tilespmem:s14+$0x2380];
	v55 =	vshra.s32 v41, $0x10;
	v57 =	vmul.f32 v54, v43;
	v0 =	vadd.f32 v52, v0  }
0x10e: {  	v59 =	vshll.u32 v14, $0x10;
	v58 =	vld.idx.msk [tilespmem:v45+s10+$0x0], $0xffff  }
0x10f: {  	v61 =	vld [tilespmem:s14+$0x4000];
	v60 =	vshra.s32 v46, $0x10;
	v62 =	vmul.f32 v59, v48;
	v0 =	vadd.f32 v57, v0  }
0x110: {  	v20 =	vshll.u32 v15, $0x10;
	v63 =	vld.idx.msk [tilespmem:v50+s10+$0x0], $0xffff  }
0x111: {  	v22 =	vld [tilespmem:s14+$0x4080];
	v21 =	vshra.s32 v51, $0x10;
	v23 =	vmul.f32 v20, v53;
	v0 =	vadd.f32 v62, v0  }
0x112: {  	v25 =	vshll.u32 v16, $0x10;
	v26 =	vshra.s32 v56, $0x10;
	v24 =	vld.idx.msk [tilespmem:v55+s10+$0x0], $0xffff  }
0x113: {  	v27 =	vld [tilespmem:s14+$0x4100];
	v28 =	vmul.f32 v25, v58;
	v0 =	vadd.f32 v23, v0  }
0x114: {  	v30 =	vshll.u32 v36, $0x10;
	v29 =	vld.idx.msk [tilespmem:v60+s10+$0x0], $0xffff;
	v31 =	vshra.s32 v61, $0x10  }
0x115: {  	v32 =	vld [tilespmem:s14+$0x4180];
	v33 =	vmul.f32 v30, v63;
	v0 =	vadd.f32 v28, v0  }
0x116: {  	v35 =	vshll.u32 v41, $0x10;
	v36 =	vshra.s32 v22, $0x10;
	v34 =	vld.idx.msk [tilespmem:v21+s10+$0x0], $0xffff  }
0x117: {  	v38 =	vmul.f32 v35, v24;
	v39 =	vld.idx.msk [tilespmem:v26+s10+$0x0], $0xffff;
	v0 =	vadd.f32 v33, v0  }
0x118: {  	v40 =	vshll.u32 v46, $0x10;
	v41 =	vshra.s32 v27, $0x10;
	v37 =	vld [tilespmem:s14+$0x4200]  }
0x119: {  	v43 =	vmul.f32 v40, v29;
	v44 =	vld.idx.msk [tilespmem:v31+s10+$0x0], $0xffff;
	v0 =	vadd.f32 v38, v0  }
0x11a: {  	v45 =	vshll.u32 v51, $0x10;
	v46 =	vshra.s32 v32, $0x10;
	v42 =	vld [tilespmem:s14+$0x4280]  }
0x11b: {  	v49 =	vld.idx.msk [tilespmem:v36+s10+$0x0], $0xffff;
	v48 =	vmul.f32 v45, v34;
	v0 =	vadd.f32 v43, v0  }
0x11c: {  	v50 =	vshll.u32 v56, $0x10;
	v47 =	vld [tilespmem:s14+$0x4300]  }
0x11d: {  	v54 =	vld.idx.msk [tilespmem:v41+s10+$0x0], $0xffff;
	v53 =	vmul.f32 v50, v39;
	v51 =	vshra.s32 v37, $0x10;
	v0 =	vadd.f32 v48, v0  }
0x11e: {  	v55 =	vshll.u32 v61, $0x10;
	v52 =	vld [tilespmem:s14+$0x4380]  }
0x11f: {  	v59 =	vld.idx.msk [tilespmem:v46+s10+$0x0], $0xffff;
	v58 =	vmul.f32 v55, v44;
	v56 =	vshra.s32 v42, $0x10;
	v0 =	vadd.f32 v53, v0  }
0x120: {  	v60 =	vshll.u32 v22, $0x10;
	v57 =	vld [tilespmem:s14+$0x6000]  }
0x121: {  	v63 =	vmul.f32 v60, v49;
	v61 =	vshra.s32 v47, $0x10;
	v62 =	vld [tilespmem:s14+$0x6080];
	v0 =	vadd.f32 v58, v0  }
0x122: {  	v21 =	vshll.u32 v27, $0x10;
	v20 =	vld.idx.msk [tilespmem:v51+s10+$0x0], $0xffff  }
0x123: {  	v24 =	vmul.f32 v21, v54;
	v22 =	vshra.s32 v52, $0x10;
	v23 =	vld [tilespmem:s14+$0x6100];
	v0 =	vadd.f32 v63, v0  }
0x124: {  	v26 =	vshll.u32 v32, $0x10;
	v25 =	vld.idx.msk [tilespmem:v56+s10+$0x0], $0xffff  }
0x125: {  	v29 =	vmul.f32 v26, v59;
	v27 =	vshra.s32 v57, $0x10;
	v28 =	vld [tilespmem:s14+$0x6180];
	v0 =	vadd.f32 v24, v0  }
0x126: {  	v31 =	vshll.u32 v37, $0x10;
	v30 =	vld.idx.msk [tilespmem:v61+s10+$0x0], $0xffff  }
0x127: {  	v32 =	vshra.s32 v62, $0x10;
	v34 =	vmul.f32 v31, v20;
	v33 =	vld [tilespmem:s14+$0x6200];
	v0 =	vadd.f32 v29, v0  }
0x128: {  	v36 =	vshll.u32 v42, $0x10;
	v35 =	vld.idx.msk [tilespmem:v22+s10+$0x0], $0xffff  }
0x129: {  	v37 =	vshra.s32 v23, $0x10;
	v39 =	vmul.f32 v36, v25;
	v38 =	vld [tilespmem:s14+$0x6280];
	v0 =	vadd.f32 v34, v0  }
0x12a: {  	v41 =	vshll.u32 v47, $0x10;
	v40 =	vld.idx.msk [tilespmem:v27+s10+$0x0], $0xffff  }
0x12b: {  	v42 =	vshra.s32 v28, $0x10;
	v44 =	vmul.f32 v41, v30;
	v43 =	vld [tilespmem:s14+$0x6300];
	v0 =	vadd.f32 v39, v0  }
0x12c: {  	v46 =	vshll.u32 v52, $0x10;
	v45 =	vld.idx.msk [tilespmem:v32+s10+$0x0], $0xffff  }
0x12d: {  	v47 =	vshra.s32 v33, $0x10;
	v49 =	vmul.f32 v46, v35;
	v48 =	vld [tilespmem:s14+$0x6380];
	v0 =	vadd.f32 v44, v0  }
0x12e: {  	v51 =	vshll.u32 v57, $0x10;
	v50 =	vld.idx.msk [tilespmem:v37+s10+$0x0], $0xffff  }
0x12f: {  	v52 =	vshra.s32 v38, $0x10;
	v54 =	vmul.f32 v51, v40;
	v53 =	vld [tilespmem:s14+$0x8000];
	v0 =	vadd.f32 v49, v0  }
0x130: {  	v56 =	vshll.u32 v62, $0x10;
	v55 =	vld.idx.msk [tilespmem:v42+s10+$0x0], $0xffff  }
0x131: {  	v57 =	vshra.s32 v43, $0x10;
	v59 =	vmul.f32 v56, v45;
	v58 =	vld [tilespmem:s14+$0x8080];
	v0 =	vadd.f32 v54, v0  }
0x132: {  	v61 =	vshll.u32 v23, $0x10;
	v60 =	vld.idx.msk [tilespmem:v47+s10+$0x0], $0xffff  }
0x133: {  	v62 =	vshra.s32 v48, $0x10;
	v20 =	vmul.f32 v61, v50;
	v63 =	vld [tilespmem:s14+$0x8100];
	v0 =	vadd.f32 v59, v0  }
0x134: {  	v22 =	vshll.u32 v28, $0x10;
	v21 =	vld.idx.msk [tilespmem:v52+s10+$0x0], $0xffff  }
0x135: {  	v23 =	vshra.s32 v53, $0x10;
	v25 =	vmul.f32 v22, v55;
	v24 =	vld [tilespmem:s14+$0x8180];
	v0 =	vadd.f32 v20, v0  }
0x136: {  	v27 =	vshll.u32 v33, $0x10;
	v26 =	vld.idx.msk [tilespmem:v57+s10+$0x0], $0xffff  }
0x137: {  	v28 =	vshra.s32 v58, $0x10;
	v30 =	vmul.f32 v27, v60;
	v29 =	vld [tilespmem:s14+$0x8200];
	v0 =	vadd.f32 v25, v0  }
0x138: {  	v32 =	vshll.u32 v38, $0x10;
	v31 =	vld.idx.msk [tilespmem:v62+s10+$0x0], $0xffff  }
0x139: {  	v33 =	vshra.s32 v63, $0x10;
	v35 =	vmul.f32 v32, v21;
	v34 =	vld [tilespmem:s14+$0x8280];
	v0 =	vadd.f32 v30, v0  }
0x13a: {  	v37 =	vshll.u32 v43, $0x10;
	v36 =	vld.idx.msk [tilespmem:v23+s10+$0x0], $0xffff  }
0x13b: {  	v38 =	vshra.s32 v24, $0x10;
	v40 =	vmul.f32 v37, v26;
	v39 =	vld [tilespmem:s14+$0x8300];
	v0 =	vadd.f32 v35, v0  }
0x13c: {  	v42 =	vshll.u32 v48, $0x10;
	v41 =	vld.idx.msk [tilespmem:v28+s10+$0x0], $0xffff  }
0x13d: {  	v43 =	vshra.s32 v29, $0x10;
	v45 =	vmul.f32 v42, v31;
	v44 =	vld [tilespmem:s14+$0x8380];
	v0 =	vadd.f32 v40, v0  }
0x13e: {  	v47 =	vshll.u32 v53, $0x10;
	v46 =	vld.idx.msk [tilespmem:v33+s10+$0x0], $0xffff  }
0x13f: {  	v48 =	vshra.s32 v34, $0x10;
	v50 =	vmul.f32 v47, v36;
	v49 =	vld [tilespmem:s14+$0xA000];
	v0 =	vadd.f32 v45, v0  }
0x140: {  	v52 =	vshll.u32 v58, $0x10;
	v51 =	vld.idx.msk [tilespmem:v38+s10+$0x0], $0xffff  }
0x141: {  	v53 =	vshra.s32 v39, $0x10;
	v55 =	vmul.f32 v52, v41;
	v54 =	vld [tilespmem:s14+$0xA080];
	v0 =	vadd.f32 v50, v0  }
0x142: {  	v57 =	vshll.u32 v63, $0x10;
	v56 =	vld.idx.msk [tilespmem:v43+s10+$0x0], $0xffff  }
0x143: {  	v58 =	vshra.s32 v44, $0x10;
	v60 =	vmul.f32 v57, v46;
	v59 =	vld [tilespmem:s14+$0xA100];
	v0 =	vadd.f32 v55, v0  }
0x144: {  	v62 =	vshll.u32 v24, $0x10;
	v61 =	vld.idx.msk [tilespmem:v48+s10+$0x0], $0xffff  }
0x145: {  	v17 =	vld [tilespmem:s14+$0xA180];
	v63 =	vshra.s32 v49, $0x10;
	v18 =	vmul.f32 v62, v51;
	v0 =	vadd.f32 v60, v0  }
0x146: {  	v19 =	vld.idx.msk [tilespmem:v53+s10+$0x0], $0xffff;
	v20 =	vshll.u32 v29, $0x10  }
0x147: {  	v22 =	vld [tilespmem:s14+$0xA200];
	v21 =	vshra.s32 v54, $0x10;
	v23 =	vmul.f32 v20, v56;
	v0 =	vadd.f32 v18, v0  }
0x148: {  	v24 =	vld.idx.msk [tilespmem:v58+s10+$0x0], $0xffff;
	v25 =	vshll.u32 v34, $0x10  }
0x149: {  	v27 =	vld [tilespmem:s14+$0xA280];
	v26 =	vshra.s32 v59, $0x10;
	v28 =	vmul.f32 v25, v61;
	v0 =	vadd.f32 v23, v0  }
0x14a: {  	v29 =	vld.idx.msk [tilespmem:v63+s10+$0x0], $0xffff;
	v30 =	vshll.u32 v39, $0x10  }
0x14b: {  	v32 =	vld [tilespmem:s14+$0xA300];
	v31 =	vshra.s32 v17, $0x10;
	v33 =	vmul.f32 v30, v19;
	v0 =	vadd.f32 v28, v0  }
0x14c: {  	v34 =	vld.idx.msk [tilespmem:v21+s10+$0x0], $0xffff;
	v35 =	vshll.u32 v44, $0x10  }
0x14d: {  	v37 =	vld [tilespmem:s14+$0xA380];
	v36 =	vshra.s32 v22, $0x10;
	v38 =	vmul.f32 v35, v24;
	v0 =	vadd.f32 v33, v0  }
0x14e: {  	v39 =	vld.idx.msk [tilespmem:v26+s10+$0x0], $0xffff;
	v40 =	vshll.u32 v49, $0x10  }
0x14f: {  	v41 =	vshra.s32 v27, $0x10;
	v42 =	vmul.f32 v40, v29;
	v0 =	vadd.f32 v38, v0  }
0x150: {  	v43 =	vld.idx.msk [tilespmem:v31+s10+$0x0], $0xffff;
	v44 =	vshll.u32 v54, $0x10  }
0x151: {  	v45 =	vshra.s32 v32, $0x10;
	v46 =	vmul.f32 v44, v34;
	v0 =	vadd.f32 v42, v0  }
0x152: {  	v47 =	vld.idx.msk [tilespmem:v36+s10+$0x0], $0xffff;
	v48 =	vshll.u32 v59, $0x10  }
0x153: {  	v49 =	vshra.s32 v37, $0x10;
	v50 =	vmul.f32 v48, v39;
	v0 =	vadd.f32 v46, v0  }
0x154: {  	v52 =	vshll.u32 v17, $0x10;
	v51 =	vld.idx.msk [tilespmem:v41+s10+$0x0], $0xffff  }
0x155: {  	v53 =	vmul.f32 v52, v43;
	v0 =	vadd.f32 v50, v0  }
0x156: {  	v55 =	vshll.u32 v22, $0x10;
	v54 =	vld.idx.msk [tilespmem:v45+s10+$0x0], $0xffff  }
0x157: {  	v56 =	vmul.f32 v55, v47;
	v0 =	vadd.f32 v53, v0  }
0x158: {  	v58 =	vshll.u32 v27, $0x10;
	v57 =	vld.idx.msk [tilespmem:v49+s10+$0x0], $0xffff  }
0x159: {  	v59 =	vmul.f32 v58, v51;
	v0 =	vadd.f32 v56, v0  }
0x15a: {  	v60 =	vshll.u32 v32, $0x10  }
0x15b: {  	v61 =	vmul.f32 v60, v54;
	v0 =	vadd.f32 v59, v0  }
0x15c: {  	v62 =	vshll.u32 v37, $0x10  }
0x15d: {  	v63 =	vmul.f32 v62, v57;
	v0 =	vadd.f32 v61, v0;
	_ =	sdelay $0x1  }
0x15e: {  	s12 =	sadd.s32 $0x1, s12;
	v0 =	vadd.f32 v63, v0  }
0x15f: {  	s31 =	sadd.s32 $0x10, s13;
	p0 =	sne.s32 s12, s6  }
.Ltmp1:
0x160: {  	[tilespmem:s31+$0x0] =	vst v0;
	(pc) =	sbr.rel @p0 .LBB2_1-.Ltmp1, $4  }
0x161: {  	[hbm4b:s5+s2] =	stream.linear.scatter [tilespmem:s11], [sflag:$0x1], $0x400, $0x38;
	[tilespmem:$0xD000] =	vst v63  }
0x162: {  	_ =	swait.ge [sflag:s9], $0x400  }
0x163: {  	[sflag:s9] =	ssyncset.done $0x0  }
0x164: {  	[sflag:s9] =	ssyncadd.s32 $0xFFFFFC00  }
0x165: {  	_ =	sfence.sel $0x180000  }
0x166: {  	[bflag:$0x0] =	sbarrier.arrive $0xFFFF  }
0x167: {  	p0 =	sne.s32 s1, $0x0;
	_ =	strace $0x90000047  }
0x168: {  	s0 =	sadd.s32 @!p0 $0x100000, s0;
	[bflag:$0x2] =	sbarrier.arrive $0xFFFF  }
0x169: {  	[sflag:s0] =	ssyncadd.tile.s32 @!p0 $0x1;
	_ =	shalt  }
.Lfunc_end2:
_tile_overlayer_lowered:
.L_overlay_start_2:
0x16a: {  	(tag) =	ssettag $0x2  }
0x16b: {  	s0 =	rddreg [dreg:$0x0];
	s2 =	stileid.u32  }
0x16c: {  	s1 =	rddreg [dreg:$0x1];
	p0 =	sne.s32 s2, $0x0  }
0x16d: {  	s3 =	rddreg [dreg:$0x2];
	[bflag:$0x3] =	sbarrier.arrive $0xFFFF;
	s2 =	simm.s32 @!p0 $0x1C01  }
0x16e: {  	[timem:s3], [sflag:s2] =	dma.local @!p0 [hbm:s0], s1  }
0x16f: {  	s0 =	simm.s32 @!p0 $0x1  }
0x170: {  	_ =	swait.ge @!p0 [sflag:s0], s1  }
0x171: {  	s1 =	ssub.s32 @!p0 $0x0, s1;
	[sflag:s0] =	ssyncset.done @!p0 $0x0  }
0x172: {  	[sflag:s0] =	ssyncadd.s32 @!p0 s1  }
0x173: {  	[bflag:$0x3] =	sbarrier.arrive $0xFFFF  }
0x174: {  	_ =	shalt  }

</sc_bundles>
